<compile_context>
chip_gen: v7x
topology: tpu7x:2x2x1
jax: 0.10.2.dev20260603
libtpu: 0.0.44.dev20260713+nightly
codegen_flags: <defaults>
</compile_context>

<pallas_src>
import functools

import jax
import jax.numpy as jnp
from jax.experimental import pallas as pl
from jax.experimental.pallas import tpu as pltpu

B, N, M = 4, 2048, 1024
K0, K1, KA = 32, 32, 16
NT = 256


def _lrelu(v):
    return jnp.where(v > 0, v, 0.2 * v)




def _head_pool_body(xt_ref, w_ref, ymax_ref, ysum_ref):
    nt = pl.program_id(1)
    y = _lrelu(
        jax.lax.dot_general(
            xt_ref[0], w_ref[...], (((1,), (1,)), ((), ())),
            preferred_element_type=jnp.float32,
        )
    )
    ymax = jnp.max(y, axis=0, keepdims=True)
    ysum = jnp.sum(y, axis=0, keepdims=True)

    @pl.when(nt == 0)
    def _():
        ymax_ref[0] = ymax
        ysum_ref[0] = ysum

    @pl.when(nt != 0)
    def _():
        ymax_ref[0] = jnp.maximum(ymax_ref[0], ymax)
        ysum_ref[0] = ysum_ref[0] + ysum


def _head_pool(x_tmp_t, conv_W):
    grid = (B, N // NT)
    ymax, ysum = pl.pallas_call(
        _head_pool_body,
        grid=grid,
        in_specs=[
            pl.BlockSpec((1, NT, 128), lambda b, n: (b, n, 0)),
            pl.BlockSpec((1024, 128), lambda b, n: (0, 0)),
        ],
        out_specs=[
            pl.BlockSpec((1, 1, 1024), lambda b, n: (b, 0, 0)),
            pl.BlockSpec((1, 1, 1024), lambda b, n: (b, 0, 0)),
        ],
        out_shape=[
            jax.ShapeDtypeStruct((B, 1, 1024), jnp.float32),
            jax.ShapeDtypeStruct((B, 1, 1024), jnp.float32),
        ],
    )(x_tmp_t, conv_W)
    return ymax[:, 0], ysum[:, 0]




def _head_mlp_body(xt_ref, g_ref, w2x_ref, w2g_ref, w3_ref, w4_ref, out_ref,
                   gc_ref):
    nt = pl.program_id(1)

    @pl.when(nt == 0)
    def _():
        gc_ref[...] = jax.lax.dot_general(
            g_ref[0], w2g_ref[...], (((1,), (1,)), ((), ())),
            preferred_element_type=jnp.float32,
        )

    x = xt_ref[0]
    t1 = _lrelu(
        jax.lax.dot_general(
            x, w2x_ref[...], (((1,), (1,)), ((), ())),
            preferred_element_type=jnp.float32,
        )
        + gc_ref[...]
    )
    t2 = _lrelu(
        jax.lax.dot_general(
            t1, w3_ref[...], (((1,), (1,)), ((), ())),
            preferred_element_type=jnp.float32,
        )
    )
    out_ref[0] = jax.lax.dot_general(
        t2, w4_ref[...], (((1,), (1,)), ((), ())),
        preferred_element_type=jnp.float32,
    )


def _head_mlp(x_tmp_t, g, w2, w3, w4):
    w2g = w2[:, :2112]
    w2x = w2[:, 2112:]
    w4p = jnp.zeros((64, 256), jnp.float32).at[:50].set(w4)
    grid = (B, N // NT)
    out = pl.pallas_call(
        _head_mlp_body,
        grid=grid,
        in_specs=[
            pl.BlockSpec((1, NT, 128), lambda b, n: (b, n, 0)),
            pl.BlockSpec((1, 1, 2112), lambda b, n: (b, 0, 0)),
            pl.BlockSpec((1024, 128), lambda b, n: (0, 0)),
            pl.BlockSpec((1024, 2112), lambda b, n: (0, 0)),
            pl.BlockSpec((256, 1024), lambda b, n: (0, 0)),
            pl.BlockSpec((64, 256), lambda b, n: (0, 0)),
        ],
        out_specs=pl.BlockSpec((1, NT, 64), lambda b, n: (b, n, 0)),
        out_shape=jax.ShapeDtypeStruct((B, N, 64), jnp.float32),
        scratch_shapes=[pltpu.VMEM((1, 1024), jnp.float32)],
    )(x_tmp_t, g[:, None, :], w2x, w2g, w3, w4p)
    return out




def _knn_idx(x, k):
    xt = jnp.transpose(x, (0, 2, 1))
    inner = -2.0 * jnp.einsum('bnc,bmc->bnm', xt, xt)
    sq = jnp.sum(xt * xt, axis=-1)
    neg = -(sq[:, :, None] + inner + sq[:, None, :])
    _, idx = jax.lax.top_k(neg, k)
    return idx


def _gather_nbrs(x, idx):
    b, c, n = x.shape
    k = idx.shape[-1]
    xt = jnp.transpose(x, (0, 2, 1))
    g = jnp.take_along_axis(xt, idx.reshape(b, n * k)[:, :, None], axis=1)
    return jnp.transpose(g.reshape(b, n, k, c), (0, 3, 1, 2))


def _conv1d(W, v):
    return jnp.einsum('oc,bcn->bon', W, v)


def _edge_conv(x, W, k):
    idx = _knn_idx(x, k)
    nbr = _gather_nbrs(x, idx)
    ctr = x[:, :, :, None]
    feat = jnp.concatenate([nbr - ctr, jnp.broadcast_to(ctr, nbr.shape)], axis=1)
    y = _lrelu(jnp.einsum('oc,bcnk->bonk', W, feat))
    return jnp.max(y, axis=-1)


def _n2p_attention(x, Wq, Wk, Wv, Wf, k):
    idx = _knn_idx(x, k)
    q = _conv1d(Wq, x)
    kk = _conv1d(Wk, x)
    vv = _conv1d(Wv, x)
    kn = _gather_nbrs(kk, idx)
    vn = _gather_nbrs(vv, idx)
    att = jax.nn.softmax(
        jnp.einsum('bdn,bdnk->bnk', q, kn) / jnp.sqrt(1.0 * q.shape[1]), axis=-1)
    out = x + jnp.einsum('bnk,bdnk->bdn', att, vn)
    return out + _lrelu(_conv1d(Wf, out))


def _gather_by_idx(x, idx):
    xt = jnp.transpose(x, (0, 2, 1))
    return jnp.transpose(jnp.take_along_axis(xt, idx[:, :, None], axis=1), (0, 2, 1))


def _downsample_global(x, w, m):
    s = jnp.einsum('c,bcn->bn', w, x)
    _, isel = jax.lax.top_k(s, m)
    return _gather_by_idx(x, isel), isel


def _upsample_interp(x_skip, x_coarse, xyz_c, xyz_f, Wu):
    ft = jnp.transpose(xyz_f, (0, 2, 1))
    ct = jnp.transpose(xyz_c, (0, 2, 1))
    d2 = (jnp.sum(ft * ft, -1)[:, :, None]
          - 2.0 * jnp.einsum('bnc,bmc->bnm', ft, ct)
          + jnp.sum(ct * ct, -1)[:, None, :])
    negd, idx3 = jax.lax.top_k(-d2, 3)
    w = 1.0 / (jnp.maximum(-negd, 0.0) + 1e-8)
    w = w / jnp.sum(w, axis=-1, keepdims=True)
    xct = jnp.transpose(x_coarse, (0, 2, 1))
    b, n, _ = idx3.shape
    g = jnp.take_along_axis(
        xct, idx3.reshape(b, n * 3)[:, :, None], axis=1).reshape(b, n, 3, xct.shape[-1])
    interp = jnp.einsum('bnk,bnkc->bcn', w, g)
    return _lrelu(_conv1d(Wu, jnp.concatenate([x_skip, interp], axis=1)))


def kernel(x, category_id, emb0_W, emb1_W, att0_Wq, att0_Wk, att0_Wv, att0_Wf,
           att1_Wq, att1_Wk, att1_Wv, att1_Wf, att2_Wq, att2_Wk, att2_Wv,
           att2_Wf, ds_w, us_W, conv_W, conv1_W, conv2_W, conv3_W, conv4_W):
    x_xyz = x[:, :3, :]
    x0 = _edge_conv(x, emb0_W, K0)
    x1 = _edge_conv(x0, emb1_W, K1)
    xf = jnp.concatenate([x0, x1], axis=1)
    xf = _n2p_attention(xf, att0_Wq, att0_Wk, att0_Wv, att0_Wf, KA)
    xd, isel = _downsample_global(xf, ds_w, M)
    xd = _n2p_attention(xd, att1_Wq, att1_Wk, att1_Wv, att1_Wf, KA)
    xyz_d = _gather_by_idx(x_xyz, isel)
    xu = _upsample_interp(xf, xd, xyz_d, x_xyz, us_W)
    x_tmp = _n2p_attention(xu, att2_Wq, att2_Wk, att2_Wv, att2_Wf, KA)

    x_tmp_t = jnp.transpose(x_tmp, (0, 2, 1))
    ymax, ysum = _head_pool(x_tmp_t, conv_W)
    yavg = ysum / N
    cid = _lrelu(jnp.einsum('oc,bcx->box', conv1_W, category_id))[:, :, 0]
    g = jnp.concatenate([ymax, yavg, cid], axis=1)
    out = _head_mlp(x_tmp_t, g, conv2_W, conv3_W, conv4_W)
    return jnp.transpose(out[:, :, :50], (0, 2, 1))

# --- scband reference (transcript-rebuilt; emitter-appended) ---
"""Pipeline reference for scband-shape-net-model-15685220565789 (READ-ONLY COPY).

The authoritative reference and input builder live on the scoring server;
editing this copy changes nothing except your own understanding.
"""

import jax, jax.numpy as jnp
import numpy as np

B, N, M = 4, 2048, 1024
K0, K1, KA = 32, 32, 16


def knn_idx(x, k):
    xt = jnp.transpose(x, (0, 2, 1))
    inner = -2.0 * jnp.einsum('bnc,bmc->bnm', xt, xt)
    sq = jnp.sum(xt * xt, axis=-1)
    neg = -(sq[:, :, None] + inner + sq[:, None, :])
    _, idx = jax.lax.top_k(neg, k)
    return idx


def gather_nbrs(x, idx):
    b, c, n = x.shape
    k = idx.shape[-1]
    xt = jnp.transpose(x, (0, 2, 1))
    g = jnp.take_along_axis(xt, idx.reshape(b, n * k)[:, :, None], axis=1)
    return jnp.transpose(g.reshape(b, n, k, c), (0, 3, 1, 2))


def lrelu(v):
    return jax.nn.leaky_relu(v, 0.2)


def conv1d(W, v):
    return jnp.einsum('oc,bcn->bon', W, v)


def edge_conv(x, W, k):
    idx = knn_idx(x, k)
    nbr = gather_nbrs(x, idx)
    ctr = x[:, :, :, None]
    feat = jnp.concatenate([nbr - ctr, jnp.broadcast_to(ctr, nbr.shape)], axis=1)
    y = lrelu(jnp.einsum('oc,bcnk->bonk', W, feat))
    return jnp.max(y, axis=-1)


def n2p_attention(x, Wq, Wk, Wv, Wf, k):
    idx = knn_idx(x, k)
    q = conv1d(Wq, x)
    kk = conv1d(Wk, x)
    vv = conv1d(Wv, x)
    kn = gather_nbrs(kk, idx)
    vn = gather_nbrs(vv, idx)
    att = jax.nn.softmax(jnp.einsum('bdn,bdnk->bnk', q, kn) / jnp.sqrt(1.0 * q.shape[1]), axis=-1)
    out = x + jnp.einsum('bnk,bdnk->bdn', att, vn)
    return out + lrelu(conv1d(Wf, out))


def gather_by_idx(x, idx):
    xt = jnp.transpose(x, (0, 2, 1))
    return jnp.transpose(jnp.take_along_axis(xt, idx[:, :, None], axis=1), (0, 2, 1))


def downsample_global(x, w, m):
    s = jnp.einsum('c,bcn->bn', w, x)
    _, isel = jax.lax.top_k(s, m)
    _, idrop = jax.lax.top_k(-s, x.shape[-1] - m)
    return (gather_by_idx(x, isel), isel), (gather_by_idx(x, idrop), idrop)


def upsample_interp(x_skip, x_coarse, xyz_c, xyz_f, Wu):
    ft = jnp.transpose(xyz_f, (0, 2, 1))
    ct = jnp.transpose(xyz_c, (0, 2, 1))
    d2 = jnp.sum(ft * ft, -1)[:, :, None] - 2.0 * jnp.einsum('bnc,bmc->bnm', ft, ct) + jnp.sum(ct * ct, -1)[:, None, :]
    negd, idx3 = jax.lax.top_k(-d2, 3)
    w = 1.0 / (jnp.maximum(-negd, 0.0) + 1e-8)
    w = w / jnp.sum(w, axis=-1, keepdims=True)
    xct = jnp.transpose(x_coarse, (0, 2, 1))
    b, n, _ = idx3.shape
    g = jnp.take_along_axis(xct, idx3.reshape(b, n * 3)[:, :, None], axis=1).reshape(b, n, 3, xct.shape[-1])
    interp = jnp.einsum('bnk,bnkc->bcn', w, g)
    return lrelu(conv1d(Wu, jnp.concatenate([x_skip, interp], axis=1)))


def setup_inputs(seed: int = 0):
    key = jax.random.key(seed)
    ks = jax.random.split(key, 24)
    def w(i, shape):
        return jax.random.normal(ks[i], shape, dtype=jnp.float32) * 0.02
    return {
        'x': jax.random.normal(ks[0], (B, 3, N), dtype=jnp.float32),
        'category_id': jax.random.uniform(ks[1], (B, 16, 1), dtype=jnp.float32),
        'emb0_W': w(2, (64, 6)), 'emb1_W': w(3, (64, 128)),
        'att0_Wq': w(4, (128, 128)), 'att0_Wk': w(5, (128, 128)), 'att0_Wv': w(6, (128, 128)), 'att0_Wf': w(7, (128, 128)),
        'att1_Wq': w(8, (128, 128)), 'att1_Wk': w(9, (128, 128)), 'att1_Wv': w(10, (128, 128)), 'att1_Wf': w(11, (128, 128)),
        'att2_Wq': w(12, (128, 128)), 'att2_Wk': w(13, (128, 128)), 'att2_Wv': w(14, (128, 128)), 'att2_Wf': w(15, (128, 128)),
        'ds_w': w(16, (128,)),
        'us_W': w(17, (128, 256)),
        'conv_W': w(18, (1024, 128)),
        'conv1_W': w(19, (64, 16)),
        'conv2_W': w(20, (1024, 2240)),
        'conv3_W': w(21, (256, 1024)),
        'conv4_W': w(22, (50, 256)),
    }


def reference(x, category_id, emb0_W, emb1_W, att0_Wq, att0_Wk, att0_Wv, att0_Wf, att1_Wq, att1_Wk, att1_Wv, att1_Wf, att2_Wq, att2_Wk, att2_Wv, att2_Wf, ds_w, us_W, conv_W, conv1_W, conv2_W, conv3_W, conv4_W):
    x_xyz = x[:, :3, :]
    x0 = edge_conv(x, emb0_W, K0)
    x1 = edge_conv(x0, emb1_W, K1)
    xf = jnp.concatenate([x0, x1], axis=1)
    xf = n2p_attention(xf, att0_Wq, att0_Wk, att0_Wv, att0_Wf, KA)
    (xd, isel), (xdrop, idrop) = downsample_global(xf, ds_w, M)
    xd = n2p_attention(xd, att1_Wq, att1_Wk, att1_Wv, att1_Wf, KA)
    xyz_d = gather_by_idx(x_xyz, isel)
    xu = upsample_interp(xf, xd, xyz_d, x_xyz, us_W)
    x_tmp = n2p_attention(xu, att2_Wq, att2_Wk, att2_Wv, att2_Wf, KA)
    y = lrelu(conv1d(conv_W, x_tmp))
    ymax = jnp.max(y, axis=-1, keepdims=True)
    yavg = jnp.mean(y, axis=-1, keepdims=True)
    g = jnp.concatenate([ymax, yavg], axis=1)
    cid = lrelu(conv1d(conv1_W, category_id))
    g = jnp.concatenate([g, cid], axis=1)
    g = jnp.broadcast_to(g, (g.shape[0], g.shape[1], x_tmp.shape[-1]))
    h = jnp.concatenate([g, x_tmp], axis=1)
    h = lrelu(conv1d(conv2_W, h))
    h = lrelu(conv1d(conv3_W, h))
    return conv1d(conv4_W, h)

if __name__ == "__main__":
    import jax
    _d = setup_inputs()
    print(jax.jit(kernel)(*tuple(_d.values())))

</pallas_src>

<mosaic_0001>
module attributes {stable_mosaic.version = 14 : i64} {
  func.func @_head_pool_body(%arg0: i32, %arg1: i32, %arg2: memref<1x256x128xf32, #tpu.memory_space<vmem>>, %arg3: memref<1024x128xf32, #tpu.memory_space<vmem>>, %arg4: memref<1x1x1024xf32, #tpu.memory_space<vmem>>, %arg5: memref<1x1x1024xf32, #tpu.memory_space<vmem>>) attributes {dimension_semantics = [#tpu.dimension_semantics<arbitrary>, #tpu.dimension_semantics<arbitrary>], iteration_bounds = array<i64: 4, 8>, scalar_prefetch = 0 : i64, scratch_operands = 0 : i64, tpu.core_type = #tpu.core_type<tc>, window_params = [{transform_indices = @transform_0, window_bounds = array<i64: 1, 256, 128>}, {pipeline_mode = #tpu.pipeline_mode<synchronous>, transform_indices = @transform_1, window_bounds = array<i64: 1024, 128>}, {transform_indices = @transform_2, window_bounds = array<i64: 1, 1, 1024>}, {transform_indices = @transform_3, window_bounds = array<i64: 1, 1, 1024>}]} {
    %get3A = arith.constant 0 : index
    %get3A_0 = arith.constant 0 : index
    %get3A_1 = arith.constant 0 : index
    %get3A_2 = vector.load %arg2[%get3A, %get3A_0, %get3A_1] : memref<1x256x128xf32, #tpu.memory_space<vmem>>, vector<1x256x128xf32>
    %get3A_3 = vector.shape_cast %get3A_2 : vector<1x256x128xf32> to vector<256x128xf32>
    %get3A_4 = arith.constant 0 : index
    %get3A_5 = arith.constant 0 : index
    %get3A_6 = vector.load %arg3[%get3A_4, %get3A_5] : memref<1024x128xf32, #tpu.memory_space<vmem>>, vector<1024x128xf32>
    %dot_general3A = arith.constant dense<0.000000e+00> : vector<256x1024xf32>
    %dot_general3A_7 = tpu.matmul %get3A_3, %get3A_6, %dot_general3A {dimension_numbers = #tpu.dot_dimension_numbers<[1], [1], [0], [0], [0, 0, 1, 0], [], []>, transpose_lhs_hint = false} : vector<256x128xf32>, vector<1024x128xf32>, vector<256x1024xf32> -> vector<256x1024xf32>
    %gt3A = arith.constant 0.000000e+00 : f32
    %gt3A_8 = vector.broadcast %gt3A : f32 to vector<256x1024xf32>
    %gt3A_9 = arith.cmpf ogt, %dot_general3A_7, %gt3A_8 : vector<256x1024xf32>
    %mul3A = arith.constant 2.000000e-01 : f32
    %mul3A_10 = vector.broadcast %mul3A : f32 to vector<256x1024xf32>
    %mul3A_11 = arith.mulf %mul3A_10, %dot_general3A_7 : vector<256x1024xf32>
    %select_n3A = arith.select %gt3A_9, %dot_general3A_7, %mul3A_11 : vector<256x1024xi1>, vector<256x1024xf32>
    %reduce_max3A = arith.constant dense<0xFF800000> : vector<1024xf32>
    %reduce_max3A_12 = vector.multi_reduction <maximumf>, %select_n3A, %reduce_max3A [0] : vector<256x1024xf32> to vector<1024xf32>
    %broadcast_in_dim3A = vector.shape_cast %reduce_max3A_12 : vector<1024xf32> to vector<1x1024xf32>
    %reduce_sum3A = arith.constant dense<0.000000e+00> : vector<1024xf32>
    %reduce_sum3A_13 = vector.multi_reduction <add>, %select_n3A, %reduce_sum3A [0] : vector<256x1024xf32> to vector<1024xf32>
    %broadcast_in_dim3A_14 = vector.shape_cast %reduce_sum3A_13 : vector<1024xf32> to vector<1x1024xf32>
    %eq3A = arith.constant 0 : i32
    %eq3A_15 = arith.cmpi eq, %arg1, %eq3A : i32
    %convert_element_type3A = arith.extui %eq3A_15 : i1 to i32
    %cond3A = arith.constant 0 : i32
    %cond3A_16 = arith.cmpi ne, %convert_element_type3A, %cond3A : i32
    scf.if %cond3A_16 {
      %swap3A = arith.constant 0 : index
      %swap3A_21 = arith.constant 0 : index
      %swap3A_22 = arith.constant 0 : index
      %swap3A_23 = vector.load %arg4[%swap3A, %swap3A_21, %swap3A_22] : memref<1x1x1024xf32, #tpu.memory_space<vmem>>, vector<1x1x1024xf32>
      %swap3A_24 = vector.shape_cast %swap3A_23 : vector<1x1x1024xf32> to vector<1x1024xf32>
      %swap3A_25 = vector.shape_cast %broadcast_in_dim3A : vector<1x1024xf32> to vector<1x1x1024xf32>
      tpu.vector_store %arg4[%swap3A, %swap3A_21, %swap3A_22], %swap3A_25 {strides = array<i32>} : memref<1x1x1024xf32, #tpu.memory_space<vmem>>, vector<1x1x1024xf32>,
      %swap3A_26 = arith.constant 0 : index
      %swap3A_27 = arith.constant 0 : index
      %swap3A_28 = arith.constant 0 : index
      %swap3A_29 = vector.load %arg5[%swap3A_26, %swap3A_27, %swap3A_28] : memref<1x1x1024xf32, #tpu.memory_space<vmem>>, vector<1x1x1024xf32>
      %swap3A_30 = vector.shape_cast %swap3A_29 : vector<1x1x1024xf32> to vector<1x1024xf32>
      %swap3A_31 = vector.shape_cast %broadcast_in_dim3A_14 : vector<1x1024xf32> to vector<1x1x1024xf32>
      tpu.vector_store %arg5[%swap3A_26, %swap3A_27, %swap3A_28], %swap3A_31 {strides = array<i32>} : memref<1x1x1024xf32, #tpu.memory_space<vmem>>, vector<1x1x1024xf32>,
    } else {
    }
    %ne3A = arith.constant 0 : i32
    %ne3A_17 = arith.cmpi ne, %arg1, %ne3A : i32
    %convert_element_type3A_18 = arith.extui %ne3A_17 : i1 to i32
    %cond3A_19 = arith.constant 0 : i32
    %cond3A_20 = arith.cmpi ne, %convert_element_type3A_18, %cond3A_19 : i32
    scf.if %cond3A_20 {
      %get3A_21 = arith.constant 0 : index
      %get3A_22 = arith.constant 0 : index
      %get3A_23 = arith.constant 0 : index
      %get3A_24 = vector.load %arg4[%get3A_21, %get3A_22, %get3A_23] : memref<1x1x1024xf32, #tpu.memory_space<vmem>>, vector<1x1x1024xf32>
      %get3A_25 = vector.shape_cast %get3A_24 : vector<1x1x1024xf32> to vector<1x1024xf32>
      %max3A = arith.maximumf %get3A_25, %broadcast_in_dim3A : vector<1x1024xf32>
      %swap3A = arith.constant 0 : index
      %swap3A_26 = arith.constant 0 : index
      %swap3A_27 = arith.constant 0 : index
      %swap3A_28 = vector.load %arg4[%swap3A, %swap3A_26, %swap3A_27] : memref<1x1x1024xf32, #tpu.memory_space<vmem>>, vector<1x1x1024xf32>
      %swap3A_29 = vector.shape_cast %swap3A_28 : vector<1x1x1024xf32> to vector<1x1024xf32>
      %swap3A_30 = vector.shape_cast %max3A : vector<1x1024xf32> to vector<1x1x1024xf32>
      tpu.vector_store %arg4[%swap3A, %swap3A_26, %swap3A_27], %swap3A_30 {strides = array<i32>} : memref<1x1x1024xf32, #tpu.memory_space<vmem>>, vector<1x1x1024xf32>,
      %get3A_31 = arith.constant 0 : index
      %get3A_32 = arith.constant 0 : index
      %get3A_33 = arith.constant 0 : index
      %get3A_34 = vector.load %arg5[%get3A_31, %get3A_32, %get3A_33] : memref<1x1x1024xf32, #tpu.memory_space<vmem>>, vector<1x1x1024xf32>
      %get3A_35 = vector.shape_cast %get3A_34 : vector<1x1x1024xf32> to vector<1x1024xf32>
      %add3A = arith.addf %get3A_35, %broadcast_in_dim3A_14 : vector<1x1024xf32>
      %swap3A_36 = arith.constant 0 : index
      %swap3A_37 = arith.constant 0 : index
      %swap3A_38 = arith.constant 0 : index
      %swap3A_39 = vector.load %arg5[%swap3A_36, %swap3A_37, %swap3A_38] : memref<1x1x1024xf32, #tpu.memory_space<vmem>>, vector<1x1x1024xf32>
      %swap3A_40 = vector.shape_cast %swap3A_39 : vector<1x1x1024xf32> to vector<1x1024xf32>
      %swap3A_41 = vector.shape_cast %add3A : vector<1x1024xf32> to vector<1x1x1024xf32>
      tpu.vector_store %arg5[%swap3A_36, %swap3A_37, %swap3A_38], %swap3A_41 {strides = array<i32>} : memref<1x1x1024xf32, #tpu.memory_space<vmem>>, vector<1x1x1024xf32>,
    } else {
    }
    return
  }
  func.func @transform_0(%arg0: i32, %arg1: i32) -> (i32, i32, i32) {
    %c0_i32 = arith.constant 0 : i32
    %c0_i32_0 = arith.constant 0 : i32
    return %arg0, %arg1, %c0_i32 : i32, i32, i32
  }
  func.func @transform_1(%arg0: i32, %arg1: i32) -> (i32, i32) {
    %c0_i32 = arith.constant 0 : i32
    %c0_i32_0 = arith.constant 0 : i32
    %c0_i32_1 = arith.constant 0 : i32
    return %c0_i32, %c0_i32_0 : i32, i32
  }
  func.func @transform_2(%arg0: i32, %arg1: i32) -> (i32, i32, i32) {
    %c0_i32 = arith.constant 0 : i32
    %c0_i32_0 = arith.constant 0 : i32
    %c0_i32_1 = arith.constant 0 : i32
    return %arg0, %c0_i32, %c0_i32_0 : i32, i32, i32
  }
  func.func @transform_3(%arg0: i32, %arg1: i32) -> (i32, i32, i32) {
    %c0_i32 = arith.constant 0 : i32
    %c0_i32_0 = arith.constant 0 : i32
    %c0_i32_1 = arith.constant 0 : i32
    return %arg0, %c0_i32, %c0_i32_0 : i32, i32, i32
  }
}

module attributes {stable_mosaic.version = 14 : i64} {
  func.func @_head_mlp_body(%arg0: i32, %arg1: i32, %arg2: memref<1x256x128xf32, #tpu.memory_space<vmem>>, %arg3: memref<1x1x2112xf32, #tpu.memory_space<vmem>>, %arg4: memref<1024x128xf32, #tpu.memory_space<vmem>>, %arg5: memref<1024x2112xf32, #tpu.memory_space<vmem>>, %arg6: memref<256x1024xf32, #tpu.memory_space<vmem>>, %arg7: memref<64x256xf32, #tpu.memory_space<vmem>>, %arg8: memref<1x256x64xf32, #tpu.memory_space<vmem>>, %arg9: memref<1x1024xf32, #tpu.memory_space<vmem>>) attributes {dimension_semantics = [#tpu.dimension_semantics<arbitrary>, #tpu.dimension_semantics<arbitrary>], iteration_bounds = array<i64: 4, 8>, scalar_prefetch = 0 : i64, scratch_operands = 1 : i64, tpu.core_type = #tpu.core_type<tc>, window_params = [{transform_indices = @transform_0, window_bounds = array<i64: 1, 256, 128>}, {transform_indices = @transform_1, window_bounds = array<i64: 1, 1, 2112>}, {pipeline_mode = #tpu.pipeline_mode<synchronous>, transform_indices = @transform_2, window_bounds = array<i64: 1024, 128>}, {pipeline_mode = #tpu.pipeline_mode<synchronous>, transform_indices = @transform_3, window_bounds = array<i64: 1024, 2112>}, {pipeline_mode = #tpu.pipeline_mode<synchronous>, transform_indices = @transform_4, window_bounds = array<i64: 256, 1024>}, {pipeline_mode = #tpu.pipeline_mode<synchronous>, transform_indices = @transform_5, window_bounds = array<i64: 64, 256>}, {transform_indices = @transform_6, window_bounds = array<i64: 1, 256, 64>}]} {
    %eq3A = arith.constant 0 : i32
    %eq3A_0 = arith.cmpi eq, %arg1, %eq3A : i32
    %convert_element_type3A = arith.extui %eq3A_0 : i1 to i32
    %cond3A = arith.constant 0 : i32
    %cond3A_1 = arith.cmpi ne, %convert_element_type3A, %cond3A : i32
    scf.if %cond3A_1 {
      %get3A_40 = arith.constant 0 : index
      %get3A_41 = arith.constant 0 : index
      %get3A_42 = arith.constant 0 : index
      %get3A_43 = vector.load %arg3[%get3A_40, %get3A_41, %get3A_42] : memref<1x1x2112xf32, #tpu.memory_space<vmem>>, vector<1x1x2112xf32>
      %get3A_44 = vector.shape_cast %get3A_43 : vector<1x1x2112xf32> to vector<1x2112xf32>
      %get3A_45 = arith.constant 0 : index
      %get3A_46 = arith.constant 0 : index
      %get3A_47 = vector.load %arg5[%get3A_45, %get3A_46] : memref<1024x2112xf32, #tpu.memory_space<vmem>>, vector<1024x2112xf32>
      %dot_general3A_48 = arith.constant dense<0.000000e+00> : vector<1x1024xf32>
      %dot_general3A_49 = tpu.matmul %get3A_44, %get3A_47, %dot_general3A_48 {dimension_numbers = #tpu.dot_dimension_numbers<[1], [1], [0], [0], [0, 0, 1, 0], [], []>, transpose_lhs_hint = false} : vector<1x2112xf32>, vector<1024x2112xf32>, vector<1x1024xf32> -> vector<1x1024xf32>
      %swap3A_50 = arith.constant 0 : index
      %swap3A_51 = arith.constant 0 : index
      %swap3A_52 = vector.load %arg9[%swap3A_50, %swap3A_51] : memref<1x1024xf32, #tpu.memory_space<vmem>>, vector<1x1024xf32>
      tpu.vector_store %arg9[%swap3A_50, %swap3A_51], %dot_general3A_49 {strides = array<i32>} : memref<1x1024xf32, #tpu.memory_space<vmem>>, vector<1x1024xf32>,
    } else {
    }
    %get3A = arith.constant 0 : index
    %get3A_2 = arith.constant 0 : index
    %get3A_3 = arith.constant 0 : index
    %get3A_4 = vector.load %arg2[%get3A, %get3A_2, %get3A_3] : memref<1x256x128xf32, #tpu.memory_space<vmem>>, vector<1x256x128xf32>
    %get3A_5 = vector.shape_cast %get3A_4 : vector<1x256x128xf32> to vector<256x128xf32>
    %get3A_6 = arith.constant 0 : index
    %get3A_7 = arith.constant 0 : index
    %get3A_8 = vector.load %arg4[%get3A_6, %get3A_7] : memref<1024x128xf32, #tpu.memory_space<vmem>>, vector<1024x128xf32>
    %dot_general3A = arith.constant dense<0.000000e+00> : vector<256x1024xf32>
    %dot_general3A_9 = tpu.matmul %get3A_5, %get3A_8, %dot_general3A {dimension_numbers = #tpu.dot_dimension_numbers<[1], [1], [0], [0], [0, 0, 1, 0], [], []>, transpose_lhs_hint = false} : vector<256x128xf32>, vector<1024x128xf32>, vector<256x1024xf32> -> vector<256x1024xf32>
    %get3A_10 = arith.constant 0 : index
    %get3A_11 = arith.constant 0 : index
    %get3A_12 = vector.load %arg9[%get3A_10, %get3A_11] : memref<1x1024xf32, #tpu.memory_space<vmem>>, vector<1x1024xf32>
    %add3A = vector.broadcast %get3A_12 : vector<1x1024xf32> to vector<256x1024xf32>
    %add3A_13 = arith.addf %dot_general3A_9, %add3A : vector<256x1024xf32>
    %gt3A = arith.constant 0.000000e+00 : f32
    %gt3A_14 = vector.broadcast %gt3A : f32 to vector<256x1024xf32>
    %gt3A_15 = arith.cmpf ogt, %add3A_13, %gt3A_14 : vector<256x1024xf32>
    %mul3A = arith.constant 2.000000e-01 : f32
    %mul3A_16 = vector.broadcast %mul3A : f32 to vector<256x1024xf32>
    %mul3A_17 = arith.mulf %mul3A_16, %add3A_13 : vector<256x1024xf32>
    %select_n3A = arith.select %gt3A_15, %add3A_13, %mul3A_17 : vector<256x1024xi1>, vector<256x1024xf32>
    %get3A_18 = arith.constant 0 : index
    %get3A_19 = arith.constant 0 : index
    %get3A_20 = vector.load %arg6[%get3A_18, %get3A_19] : memref<256x1024xf32, #tpu.memory_space<vmem>>, vector<256x1024xf32>
    %dot_general3A_21 = arith.constant dense<0.000000e+00> : vector<256x256xf32>
    %dot_general3A_22 = tpu.matmul %select_n3A, %get3A_20, %dot_general3A_21 {dimension_numbers = #tpu.dot_dimension_numbers<[1], [1], [0], [0], [0, 0, 1, 0], [], []>, transpose_lhs_hint = false} : vector<256x1024xf32>, vector<256x1024xf32>, vector<256x256xf32> -> vector<256x256xf32>
    %gt3A_23 = arith.constant 0.000000e+00 : f32
    %gt3A_24 = vector.broadcast %gt3A_23 : f32 to vector<256x256xf32>
    %gt3A_25 = arith.cmpf ogt, %dot_general3A_22, %gt3A_24 : vector<256x256xf32>
    %mul3A_26 = arith.constant 2.000000e-01 : f32
    %mul3A_27 = vector.broadcast %mul3A_26 : f32 to vector<256x256xf32>
    %mul3A_28 = arith.mulf %mul3A_27, %dot_general3A_22 : vector<256x256xf32>
    %select_n3A_29 = arith.select %gt3A_25, %dot_general3A_22, %mul3A_28 : vector<256x256xi1>, vector<256x256xf32>
    %get3A_30 = arith.constant 0 : index
    %get3A_31 = arith.constant 0 : index
    %get3A_32 = vector.load %arg7[%get3A_30, %get3A_31] : memref<64x256xf32, #tpu.memory_space<vmem>>, vector<64x256xf32>
    %dot_general3A_33 = arith.constant dense<0.000000e+00> : vector<256x64xf32>
    %dot_general3A_34 = tpu.matmul %select_n3A_29, %get3A_32, %dot_general3A_33 {dimension_numbers = #tpu.dot_dimension_numbers<[1], [1], [0], [0], [0, 0, 1, 0], [], []>, transpose_lhs_hint = false} : vector<256x256xf32>, vector<64x256xf32>, vector<256x64xf32> -> vector<256x64xf32>
    %swap3A = arith.constant 0 : index
    %swap3A_35 = arith.constant 0 : index
    %swap3A_36 = arith.constant 0 : index
    %swap3A_37 = vector.load %arg8[%swap3A, %swap3A_35, %swap3A_36] : memref<1x256x64xf32, #tpu.memory_space<vmem>>, vector<1x256x64xf32>
    %swap3A_38 = vector.shape_cast %swap3A_37 : vector<1x256x64xf32> to vector<256x64xf32>
    %swap3A_39 = vector.shape_cast %dot_general3A_34 : vector<256x64xf32> to vector<1x256x64xf32>
    tpu.vector_store %arg8[%swap3A, %swap3A_35, %swap3A_36], %swap3A_39 {strides = array<i32>} : memref<1x256x64xf32, #tpu.memory_space<vmem>>, vector<1x256x64xf32>,
    return
  }
  func.func @transform_0(%arg0: i32, %arg1: i32) -> (i32, i32, i32) {
    %c0_i32 = arith.constant 0 : i32
    %c0_i32_0 = arith.constant 0 : i32
    return %arg0, %arg1, %c0_i32 : i32, i32, i32
  }
  func.func @transform_1(%arg0: i32, %arg1: i32) -> (i32, i32, i32) {
    %c0_i32 = arith.constant 0 : i32
    %c0_i32_0 = arith.constant 0 : i32
    %c0_i32_1 = arith.constant 0 : i32
    return %arg0, %c0_i32, %c0_i32_0 : i32, i32, i32
  }
  func.func @transform_2(%arg0: i32, %arg1: i32) -> (i32, i32) {
    %c0_i32 = arith.constant 0 : i32
    %c0_i32_0 = arith.constant 0 : i32
    %c0_i32_1 = arith.constant 0 : i32
    return %c0_i32, %c0_i32_0 : i32, i32
  }
  func.func @transform_3(%arg0: i32, %arg1: i32) -> (i32, i32) {
    %c0_i32 = arith.constant 0 : i32
    %c0_i32_0 = arith.constant 0 : i32
    %c0_i32_1 = arith.constant 0 : i32
    return %c0_i32, %c0_i32_0 : i32, i32
  }
  func.func @transform_4(%arg0: i32, %arg1: i32) -> (i32, i32) {
    %c0_i32 = arith.constant 0 : i32
    %c0_i32_0 = arith.constant 0 : i32
    %c0_i32_1 = arith.constant 0 : i32
    return %c0_i32, %c0_i32_0 : i32, i32
  }
  func.func @transform_5(%arg0: i32, %arg1: i32) -> (i32, i32) {
    %c0_i32 = arith.constant 0 : i32
    %c0_i32_0 = arith.constant 0 : i32
    %c0_i32_1 = arith.constant 0 : i32
    return %c0_i32, %c0_i32_0 : i32, i32
  }
  func.func @transform_6(%arg0: i32, %arg1: i32) -> (i32, i32, i32) {
    %c0_i32 = arith.constant 0 : i32
    %c0_i32_0 = arith.constant 0 : i32
    return %arg0, %arg1, %c0_i32 : i32, i32, i32
  }
}

</mosaic_0001>

<sc_bundles>
// kernel: gather_offload_async_start.1
scs
__scs_entry_jumppad:
0x0: {  	(pc) =	sbr.rel $0x88, $3  }
0x1: {  	(tag) =	ssettag $0x0;
	lr =	simm.s32 $0x1  }
0x2: {  	[smem:$0x3F8A] =	sst lr;
	_ =	strace $0xD0000000  }
0x3: {  	_ = 	snop  }
0x4: {  	_ = 	snop  }
0x5: {  	_ = 	snop  }
0x6: {  	_ = 	snop  }
0x7: {  	_ = 	snop  }
__scs_overlays_trampoline_lowered:
0x8: {  	[smem:$0x3F99] =	sst s0  }
0x9: {  	[smem:$0x3F9A] =	sst s1  }
0xa: {  	[smem:$0x3F9B] =	sst s2  }
0xb: {  	[smem:$0x3F9C] =	sst s3  }
0xc: {  	[smem:$0x3F9D] =	sst s4  }
0xd: {  	[smem:$0x3F9E] =	sst s5  }
0xe: {  	[smem:$0x3F9F] =	sst s6  }
0xf: {  	[smem:$0x3FA0] =	sst s7  }
0x10: {  	[smem:$0x3FA1] =	sst s8  }
0x11: {  	[smem:$0x3FA2] =	sst s9;
	s0 =	simm.s32 @!p0 $0x0  }
0x12: {  	s1 =	sld [smem:$0x3F88];
	s0 =	simm.s32 @p0 $0x1  }
0x13: {  	[smem:$0x3FA3] =	sst s0;
	s0 =	simm.s32 @!p1 $0x0  }
0x14: {  	s2 =	sld [smem:$0x3F87];
	s0 =	simm.s32 @p1 $0x1  }
0x15: {  	[smem:$0x3FA4] =	sst s0;
	s0 =	simm.s32 @!p2 $0x0  }
0x16: {  	s3 =	sld [smem:$0x3FDB];
	s0 =	simm.s32 @p2 $0x1  }
0x17: {  	s4 =	simm.s32 $0x1BF5;
	[smem:$0x3FA6] =	sst s0  }
0x18: {  	s0 =	sld [smem:$0x3F89];
	_ =	swait.ge [sflag:s4], $0x0  }
0x19: {  	s7 =	sld [smem:$0x3F8A]  }
0x1a: {  	s8 =	sadd.s32 $0xFFFFE003, lr  }
0x1b: {  	s9 =	sadd.s32 $0xFFFFFEF7, lr;
	s5 =	simm.s32 $0xFFFFFFFF;
	p2 =	slt.u32 s8, $0xFFFFF086  }
0x1c: {  	p1 =	slt.u32 s9, $0xF7A;
	s5 =	simm.s32 @!p2 $0x0  }
0x1d: {  	s5 =	simm.s32 @p1 $0x1;
	p0 =	seq.s32 s7, s2  }
0x1e: {  	s7 =	smul.u32 @!p0 $0xF7A, s2;
	p2 =	seq.s32 @!p0 s5, $0x0  }
0x1f: {  	s9 =	smul.u32 $0xF7A, s1;
	s8 =	simm.s32 @!p0 $0x1BF5;
	p2 =	por !p2, p0  }
0x20: {  	[sflag:s8] =	ssyncset.s32 @!p0 $0xFFFFF086;
	s6 =	sadd.s32 @!p0 s3, s7;
	s7 =	simm.s32 @!p0 $0x108  }
0x21: {  	s3 =	sadd.s32 s3, s9;
	s6 =	sadd.s32 @!p0 $0x88, s6;
	s7 =	simm.s32 @p2 $0x1082  }
0x22: {  	[simem:s7], [sflag:s8] =	dma.local @!p0 [hbm:s6], $0xF7A  }
0x23: {  	s9 =	sor.u32 $0xD0000000, s2;
	s6 =	simm.s32 $0x108;
	_ =	swait.ge @!p0 [sflag:s8], $0x0  }
0x24: {  	s3 =	sadd.s32 $0x88, s3;
	s6 =	simm.s32 @!p1 $0x1082;
	[sflag:s4] =	ssyncset.s32 $0xFFFFF086  }
0x25: {  	[simem:s6], [sflag:s4] =	dma.local [hbm:s3], $0xF7A  }
0x26: {  	[smem:$0x3F8A] =	sst s1;
	(tag) =	ssettag s2;
	_ =	strace s9  }
0x27: {  	s1 =	sld [smem:$0x3F9A]  }
0x28: {  	s2 =	sld [smem:$0x3F9B]  }
0x29: {  	s4 =	sld [smem:$0x3F9D]  }
0x2a: {  	p0 =	seq.s32 s5, $0x0;
	s5 =	sld [smem:$0x3F9E]  }
0x2b: {  	s6 =	sld [smem:$0x3F9F]  }
0x2c: {  	s7 =	sld [smem:$0x3FA0]  }
0x2d: {  	s3 =	simm.s32 $0x108;
	s8 =	sld [smem:$0x3FA1]  }
0x2e: {  	s3 =	simm.s32 @!p0 $0x1082;
	s9 =	sld [smem:$0x3FA2]  }
0x2f: {  	lr =	sadd.s32 s0, s3;
	s0 =	sld [smem:$0x3F99]  }
0x30: {  	s3 =	sld [smem:$0x3F9C]  }
0x31: {  	[smem:$0x3FA5] =	sst s10  }
0x32: {  	s10 =	sld [smem:$0x3FA3];
	_ =	sdelay $0x3  }
0x33: {  	p0 =	seq.s32 s10, $0x1;
	s10 =	sld [smem:$0x3FA5];
	_ =	sdelay $0x3  }
0x34: {  	[smem:$0x3FA5] =	sst s10  }
0x35: {  	s10 =	sld [smem:$0x3FA4];
	_ =	sdelay $0x3  }
0x36: {  	p1 =	seq.s32 s10, $0x1;
	s10 =	sld [smem:$0x3FA5];
	_ =	sdelay $0x3  }
0x37: {  	[smem:$0x3FA5] =	sst s10  }
0x38: {  	s10 =	sld [smem:$0x3FA6]  }
0x39: {  	_ = 	snop;
	(pc) =	sbr.ind lr, $3  }
0x3a: {  	_ = 	snop  }
0x3b: {  	_ = 	snop  }
0x3c: {  	p2 =	seq.s32 s10, $0x1;
	s10 =	sld [smem:$0x3FA5]  }
0x3d: {  	_ =	shalt  }
0x3e: {  	_ =	shalt  }
0x3f: {  	_ =	shalt  }
0x40: {  	_ =	shalt  }
0x41: {  	_ =	shalt  }
0x42: {  	_ =	shalt  }
0x43: {  	_ =	shalt  }
0x44: {  	_ =	shalt  }
0x45: {  	_ =	shalt  }
0x46: {  	_ =	shalt  }
0x47: {  	_ =	shalt  }
0x48: {  	_ =	shalt  }
0x49: {  	_ =	shalt  }
0x4a: {  	_ =	shalt  }
0x4b: {  	_ =	shalt  }
0x4c: {  	_ =	shalt  }
0x4d: {  	_ =	shalt  }
0x4e: {  	_ =	shalt  }
0x4f: {  	_ =	shalt  }
0x50: {  	_ =	shalt  }
0x51: {  	_ =	shalt  }
0x52: {  	_ =	shalt  }
0x53: {  	_ =	shalt  }
0x54: {  	_ =	shalt  }
0x55: {  	_ =	shalt  }
0x56: {  	_ =	shalt  }
0x57: {  	_ =	shalt  }
0x58: {  	_ =	shalt  }
0x59: {  	_ =	shalt  }
0x5a: {  	_ =	shalt  }
0x5b: {  	_ =	shalt  }
0x5c: {  	_ =	shalt  }
0x5d: {  	_ =	shalt  }
0x5e: {  	_ =	shalt  }
0x5f: {  	_ =	shalt  }
0x60: {  	_ =	shalt  }
0x61: {  	_ =	shalt  }
0x62: {  	_ =	shalt  }
0x63: {  	_ =	shalt  }
0x64: {  	_ =	shalt  }
0x65: {  	_ =	shalt  }
0x66: {  	_ =	shalt  }
0x67: {  	_ =	shalt  }
0x68: {  	_ =	shalt  }
0x69: {  	_ =	shalt  }
0x6a: {  	_ =	shalt  }
0x6b: {  	_ =	shalt  }
0x6c: {  	_ =	shalt  }
0x6d: {  	_ =	shalt  }
0x6e: {  	_ =	shalt  }
0x6f: {  	_ =	shalt  }
0x70: {  	_ =	shalt  }
0x71: {  	_ =	shalt  }
0x72: {  	_ =	shalt  }
0x73: {  	_ =	shalt  }
0x74: {  	_ =	shalt  }
0x75: {  	_ =	shalt  }
0x76: {  	_ =	shalt  }
0x77: {  	_ =	shalt  }
0x78: {  	_ =	shalt  }
0x79: {  	_ =	shalt  }
0x7a: {  	_ =	shalt  }
0x7b: {  	_ =	shalt  }
0x7c: {  	_ =	shalt  }
0x7d: {  	_ =	shalt  }
0x7e: {  	_ =	shalt  }
0x7f: {  	_ =	shalt  }
0x80: {  	_ =	shalt  }
0x81: {  	_ =	shalt  }
0x82: {  	_ =	shalt  }
0x83: {  	_ =	shalt  }
0x84: {  	_ =	shalt  }
0x85: {  	_ =	shalt  }
0x86: {  	_ =	shalt  }
0x87: {  	_ =	shalt  }
.Lfunc_end0:
.L_simem_size_0:
called_computation.6_lowered:
.L_overlay_start_0:
0x88: {  	s2 =	sld [smem:$0x3FD9]  }
0x89: {  	s3 =	sld [smem:$0x3FFE];
	_ =	sdelay $0x1  }
0x8a: {  	s1 =	srdreg.scid  }
0x8b: {  	s0 =	sand.u32 $0x1, s1  }
0x8c: {  	s16 =	sshll.u32 s0, $0xA;
	s2 =	sadd.s32 s3, s2  }
0x8d: {  	s2 =	sadd.s32 s2, s16  }
0x8e: {  	[smem:$0x3FB1] =	sst s2  }
0x8f: {  	_ = 	snop  }
0x90: {  	(tm) =	ssettm $0x1  }
0x91: {  	s17 =	sld [smem:$0x3FFB];
	_ =	sdelay $0x3  }
0x92: {  	_ =	strace s17  }
0x93: {  	s2 =	sld [smem:$0x3FFC];
	_ =	sdelay $0x3  }
0x94: {  	_ =	strace s2  }
0x95: {  	s2 =	sld [smem:$0x3FFD];
	_ =	sdelay $0x3  }
0x96: {  	_ =	strace s2  }
0x97: {  	_ =	strace $0x8FFFFFFF  }
0x98: {  	s18 =	sld [smem:$0x3FDB];
	_ =	sdelay $0x1  }
0x99: {  	s19 =	simm.s32 $_scs_section_size  }
0x9a: {  	s4 =	simm.s32 $_size__tile_overlayer_lowered;
	s5 =	simm.s32 $_tile_overlayer_lowered  }
0x9b: {  	s22 =	simm.s32 $0x1BFF;
	s21 =	sshll.u32 s5, $0x1;
	s2 =	sadd.s32 s19, s18  }
0x9c: {  	s6 =	simm.s32 $0x0;
	s20 =	sshll.u32 s4, $0x1;
	s4 =	sadd.s32 s21, s2  }
0x9d: {  	[timem:s6], [sflag:s22] =	dma.local [hbm:s4], s20  }
0x9e: {  	_ =	swait.ge [sflag:s22], s20  }
0x9f: {  	s3 =	ssub.s32 $0x0, s20;
	[sflag:s22] =	ssyncset.done $0x0  }
0xa0: {  	[sflag:s22] =	ssyncadd.s32 s3;
	_ =	sdelay $0x1  }
0xa1: {  	s23 =	simm.s32 $0x1B8B  }
0xa2: {  	_ =	swait.ge [sflag:s23], $0x1  }
0xa3: {  	[sflag:s23] =	ssyncset.done $0x0  }
0xa4: {  	s25 =	simm.s32 $0x1B8E;
	s24 =	sld [smem:$0x3FFE];
	[sflag:s23] =	ssyncadd.s32 $0xFFFFFFFF  }
0xa5: {  	s26 =	simm.s32 $execute0_lowered;
	[smem:$0x3FD2] =	sst s25  }
0xa6: {  	s4 =	sshll.u32 s26, $0x1;
	_ =	strace $0x80000055;
	[dreg:$0x1] =	wrdreg $0xFFFFFFFF  }
0xa7: {  	s28 =	simm.s32 $_size_execute0_lowered;
	s2 =	sadd.s32 s2, s4;
	[dreg:$0x0] =	wrdreg $0x0  }
0xa8: {  	s4 =	sshll.u32 s28, $0x1;
	[dreg:$0x2] =	wrdreg s2  }
0xa9: {  	[dreg:$0x3] =	wrdreg s4  }
0xaa: {  	[dreg:$0x4] =	wrdreg $0xC0  }
0xab: {  	_ =	task [dreg:s6], $0x5FFFF  }
0xac: {  	[dreg:$0x1] =	wrdreg $0xFFFFFFFF  }
0xad: {  	[dreg:$0x0] =	wrdreg $0x60  }
0xae: {  	[dreg:$0x2] =	wrdreg s24  }
0xaf: {  	[dreg:$0x3] =	wrdreg $0x9  }
0xb0: {  	_ =	task.clear_ibuf [dreg:s6], $0x4FFFF;
	_ =	strace $0x90000055  }
0xb1: {  	s29 =	simm.s32 $0x9;
	_ =	strace $0x80000057  }
0xb2: {  	_ =	swait.ge [sflag:s29], $0x1  }
0xb3: {  	[sflag:s29] =	ssyncadd.s32 $0xFFFFFFFF  }
0xb4: {  	_ =	strace $0x90000057  }
0xb5: {  	_ =	sfence  }
0xb6: {  	s30 =	sld [smem:$0x0];
	_ =	sdelay $0x2  }
0xb7: {  	s31 =	sshll.u32 s1, $0xD;
	s1 =	sshrl.u32 s1, $0x2  }
0xb8: {  	s3 =	sand.u32 $0x4000, s31;
	s1 =	sadd.s32 s1, s30  }
0xb9: {  	s0 =	sor.u32 s3, s0;
	s1 =	sshll.u32 s1, $0x11  }
0xba: {  	s0 =	sor.u32 s1, s0  }
0xbb: {  	s0 =	sadd.s32 $0x8F2B, s0  }
0xbc: {  	[sflag:s0] =	ssyncadd.remote.s32 $0x1  }
0xbd: {  	_ =	sfence.sel $0xFFFF  }
0xbe: {  	[dreg:$0x0] =	wrdreg $0xFFFFFFFF;
	(pc) =	sbr.abs _section_cstart, $3  }
0xbf: {  	[dreg:$0x1] =	wrdreg $0xFFFFFFFF  }
0xc0: {  	_ =	task.clear_ibuf [dreg:s6], $0x2FFFF;
	_ =	strace $0x9FFFFFFF  }
0xc1: {  	(tm) =	ssettm $0x7FFFFFFF  }
tec
execute0_lowered:
.L_overlay_start_1:
0x0: {  	(tag) =	ssettag $0x1  }
0x1: {  	s7 =	rddreg [dreg:$0x0]  }
0x2: {  	s0 =	rddreg [dreg:$0x1];
	_ =	strace $0x80000056  }
0x3: {  	s1 =	srdreg.scid;
	s4 =	simm.s32 $0x1;
	s9 =	simm.s32 $0x3  }
0x4: {  	s12 =	simm.s32 $0x0;
	s10 =	simm.s32 $0x0;
	s5 =	sshll.u32 s1, $0x4  }
.Ltmp0:
0x5: {  	s1 =	stileid.u32;
	s5 =	sand.u32 $0x10, s5;
	(pc) =	sbr.rel .LBB2_1-.Ltmp0, $4  }
0x6: {  	s2 =	sadd.s32 $0x220400, s7;
	s3 =	sadd.s32 $0x240400, s7;
	s6 =	sor.u32 s1, s5  }
0x7: {  	[sflag:s4] =	ssyncpa.u1 $0x0;
	s5 =	simm.s32 $0x2;
	s6 =	sshll.u32 s6, $0x7  }
0x8: {  	s7 =	sadd.s32 $0xC00, s7;
	[sflag:s5] =	ssyncpa.u1 $0x0;
	s8 =	sadd.s32 $0x80, s6  }
0x9: {  	vm0 =	vmmov $0xff;
	vm1 =	vcmask $0x3F20;
	[sflag:s9] =	ssyncpa.u1 $0x0;
	s9 =	simm.s32 $0x80;
	s11 =	smov.u32 s6  }
.LBB2_9:
0xa: {  	p0 =	seq.s32 s10, $0x2  }
.Ltmp1:
0xb: {  	_ = 	snop;
	(pc) =	sbr.rel @p0 .LBB2_11-.Ltmp1, $1  }
0xc: {  	_ =	sdelay $0x3  }
.LBB2_10:
0xd: {  	s12 =	sadd.s32 $0x80, s11  }
0xe: {  	s13 =	smov.u32 s6;
	p0 =	slt.s32 s12, s8  }
0xf: {  	s13 =	smov.u32 @p0 s12  }
0x10: {  	s10 =	sadd.s32 $0x1, s10;
	s12 =	smov.u32 s11;
	s11 =	smov.u32 s13  }
.LBB2_1:
0x11: {  	p0 =	sne.s32 s10, $0x0  }
.Ltmp2:
0x12: {  	_ = 	snop;
	(pc) =	sbr.rel @!p0 .LBB2_2-.Ltmp2, $1  }
0x13: {  	_ =	sdelay $0x3  }
0x14: {  	s13 =	sand.u32 $0x1, s10  }
0x15: {  	p0 =	seq.s32 s13, $0x0  }
.Ltmp3:
0x16: {  	_ = 	snop;
	(pc) =	sbr.rel @p0 .LBB2_9-.Ltmp3, $1  }
0x17: {  	_ =	sdelay $0x3  }
0x18: {  	_ =	swait.ge [sflag:s5], $0x80  }
0x19: {  	[sflag:s5] =	ssyncset.done $0x0  }
0x1a: {  	s13 =	simm.s32 $0x0;
	[sflag:s5] =	ssyncadd.s32 $0xFFFFFF80  }
0x1b: {  	v0 =	vld.msk [tilespmem:s13+$0x80 ss:$0x1], $0xffff;
	_ =	sdelay $0x4  }
0x1c: {  	v1 =	vshll.u32 v0, $0x5  }
0x1d: {  	vm2 =	veq.s32 v0, $0x80000000;
	v0 =	vshll.u32 v0, $0x12;
	v1 =	vand.u32 $0x3FF80, v1  }
0x1e: {  	v0 =	vand.u32 $0xC0000, v0;
	v1 =	vsel vm2, $0xFFFFFF80, v1  }
0x1f: {  	v0 =	vsel vm2, $0xFFFC0000, v0;
	v2 =	vand.u32 $0xFFFFFC00, v1  }
0x20: {  	v1 =	vand.u32 $0x380, v1;
	v0 =	vadd.s32 v0, v2  }
0x21: {  	v0 =	vor.u32 v1, v0  }
0x22: {  	v0 =	vshrl.u32 v0, $0x3;
	_ =	sdelay $0x3  }
0x23: {  	s13 =	simm.s32 $0x4100  }
0x24: {  	[tilespmem:s13], [sflag:$0x1] =	stream.indirect_vreg.gather [hbm:s2], $0x80, v0, vm0, $0x38;
	[tilespmem:$0x8100] =	vst v63  }
0x25: {  	s14 =	simm.s32 $0x4500;
	s31 =	simm.s32 $0x10  }
0x26: {  	[tilespmem:s14], [sflag:$0x1] =	stream.indirect_vreg.gather [hbm:s2], $0x80, v0, vm1, $0x38;
	[tilespmem:$0x8100] =	vst v63  }
0x27: {  	s14 =	simm.s32 $0x80;
	v0 =	vld.msk [tilespmem:s31+$0x80 ss:$0x1], $0xffff  }
.LBB2_5:
0x28: {  	p0 =	sne.s32 s14, $0x1C0;
	_ =	sdelay $0x4  }
0x29: {  	v1 =	vshll.u32 v0, $0x5  }
0x2a: {  	vm2 =	veq.s32 v0, $0x80000000;
	v0 =	vshll.u32 v0, $0x12;
	v1 =	vand.u32 $0x3FF80, v1  }
0x2b: {  	v0 =	vand.u32 $0xC0000, v0;
	v1 =	vsel vm2, $0xFFFFFF80, v1  }
0x2c: {  	v0 =	vsel vm2, $0xFFFC0000, v0;
	v2 =	vand.u32 $0xFFFFFC00, v1  }
0x2d: {  	v1 =	vand.u32 $0x380, v1;
	v0 =	vadd.s32 v0, v2  }
0x2e: {  	v0 =	vor.u32 v1, v0  }
0x2f: {  	v0 =	vshrl.u32 v0, $0x3;
	_ =	sdelay $0x3  }
.Ltmp4:
0x30: {  	s13 =	sadd.s32 $0x800, s13;
	(pc) =	sbr.rel @p0 .LBB2_5-.Ltmp4, $4  }
0x31: {  	[tilespmem:s13], [sflag:$0x1] =	stream.indirect_vreg.gather [hbm:s2], $0x80, v0, vm0, $0x38;
	[tilespmem:$0x8100] =	vst v63  }
0x32: {  	s15 =	sshra.s32 s14, $0x2;
	s16 =	sadd.s32 $0x400, s13  }
0x33: {  	[tilespmem:s16], [sflag:$0x1] =	stream.indirect_vreg.gather [hbm:s2], $0x80, v0, vm1, $0x38;
	[tilespmem:$0x8100] =	vst v63  }
0x34: {  	s14 =	sadd.s32 $0x40, s14;
	v0 =	vld.msk [tilespmem:s15+$0x80 ss:$0x1], $0xffff  }
0x35: {  	_ =	sdelay $0x3  }
0x36: {  	v1 =	vshll.u32 v0, $0x5  }
0x37: {  	vm2 =	veq.s32 v0, $0x80000000;
	v63 =	vshll.u32 v0, $0x12;
	v1 =	vand.u32 $0x3FF80, v1  }
0x38: {  	v0 =	vand.u32 $0xC0000, v63;
	v1 =	vsel vm2, $0xFFFFFF80, v1  }
0x39: {  	v0 =	vsel vm2, $0xFFFC0000, v0;
	v2 =	vand.u32 $0xFFFFFC00, v1  }
0x3a: {  	v1 =	vand.u32 $0x380, v1;
	v0 =	vadd.s32 v0, v2  }
0x3b: {  	v0 =	vor.u32 v1, v0  }
0x3c: {  	v0 =	vshrl.u32 v0, $0x3;
	_ =	sdelay $0x3  }
0x3d: {  	s13 =	sadd.s32 $0x800, s13  }
0x3e: {  	[tilespmem:s13], [sflag:$0x1] =	stream.indirect_vreg.gather [hbm:s2], $0x80, v0, vm0, $0x38;
	[tilespmem:$0x8100] =	vst v63  }
0x3f: {  	s13 =	sadd.s32 $0x400, s13  }
0x40: {  	[tilespmem:s13], [sflag:$0x1] =	stream.indirect_vreg.gather [hbm:s2], $0x80, v0, vm1, $0x38;
	[tilespmem:$0x8100] =	vst v63  }
0x41: {  	s12 =	sshll.u32 s12, $0x4;
	s14 =	simm.s32 $0x80;
	_ =	swait.ge [sflag:s4], $0x4000  }
0x42: {  	s15 =	simm.s32 $0x4500;
	s12 =	sadd.s32 s12, s7;
	[sflag:s4] =	ssyncset.done $0x0  }
0x43: {  	s16 =	sadd.s32 $0x0, s12;
	s13 =	simm.s32 $0x4100;
	[sflag:s4] =	ssyncadd.s32 $0xFFFFC000  }
.LBB2_7:
0x44: {  	[hbm:s16] =	stream.linear.scatter [tilespmem:s13], [sflag:$0x3], $0x400, $0x38;
	[tilespmem:$0x8100] =	vst v63  }
0x45: {  	s16 =	smov.u32 s14;
	s13 =	smov.u32 s15;
	p0 =	sne.s32 s14, $0x780  }
.Ltmp5:
0x46: {  	s14 =	sadd.s32 $0x80, s14;
	(pc) =	sbr.rel @p0 .LBB2_7-.Ltmp5, $2  }
0x47: {  	_ =	sdelay $0x2  }
0x48: {  	s15 =	sadd.s32 $0x400, s15;
	s16 =	sadd.s32 s16, s12  }
.Ltmp6:
0x49: {  	(pc) =	sbr.rel .LBB2_9-.Ltmp6, $2  }
0x4a: {  	_ =	sdelay $0x2  }
0x4b: {  	[hbm:s16] =	stream.linear.scatter [tilespmem:s13], [sflag:$0x3], $0x400, $0x38;
	[tilespmem:$0x8100] =	vst v63  }
.LBB2_2:
.Ltmp7:
0x4c: {  	(pc) =	sbr.rel .LBB2_10-.Ltmp7, $4  }
0x4d: {  	_ = 	snop  }
0x4e: {  	s12 =	sshrl.u32 s11, $0x3  }
0x4f: {  	s13 =	sand.u32 $0x7, s11;
	s12 =	sadd.s32 s3, s12  }
0x50: {  	[tilespmem:s9], [sflag:$0x2] =	stream.linear.gather [hbm4b:s12+s13], $0x80, $0x38;
	[tilespmem:$0x8100] =	vst v63  }
.LBB2_11:
0x51: {  	s2 =	simm.s32 $0x3  }
0x52: {  	_ =	swait.ge [sflag:s2], $0x4000  }
0x53: {  	[sflag:s2] =	ssyncset.done $0x0  }
0x54: {  	[sflag:s2] =	ssyncadd.s32 $0xFFFFC000  }
0x55: {  	_ =	sfence.sel $0x180000  }
0x56: {  	s3 =	simm.s32 $0x2;
	[bflag:$0x0] =	sbarrier.arrive $0xFFFF  }
0x57: {  	[sflag:s3] =	ssyncpa.u1 $0x1  }
0x58: {  	s31 =	simm.s32 $0x1;
	[sflag:s2] =	ssyncpa.u1 $0x1  }
0x59: {  	[sflag:s31] =	ssyncpa.u1 $0x1  }
0x5a: {  	p0 =	sne.s32 s1, $0x0;
	_ =	strace $0x90000056  }
0x5b: {  	s0 =	sadd.s32 @!p0 $0x100000, s0;
	[bflag:$0x2] =	sbarrier.arrive $0xFFFF  }
0x5c: {  	[sflag:s0] =	ssyncadd.tile.s32 @!p0 $0x1;
	_ =	shalt  }
.Lfunc_end2:
_tile_overlayer_lowered:
.L_overlay_start_2:
0x5d: {  	(tag) =	ssettag $0x2  }
0x5e: {  	s0 =	rddreg [dreg:$0x0];
	s2 =	stileid.u32  }
0x5f: {  	s1 =	rddreg [dreg:$0x1];
	p0 =	sne.s32 s2, $0x0  }
0x60: {  	s3 =	rddreg [dreg:$0x2];
	[bflag:$0x3] =	sbarrier.arrive $0xFFFF;
	s2 =	simm.s32 @!p0 $0x1C01  }
0x61: {  	[timem:s3], [sflag:s2] =	dma.local @!p0 [hbm:s0], s1  }
0x62: {  	s0 =	simm.s32 @!p0 $0x1  }
0x63: {  	_ =	swait.ge @!p0 [sflag:s0], s1  }
0x64: {  	s1 =	ssub.s32 @!p0 $0x0, s1;
	[sflag:s0] =	ssyncset.done @!p0 $0x0  }
0x65: {  	[sflag:s0] =	ssyncadd.s32 @!p0 s1  }
0x66: {  	[bflag:$0x3] =	sbarrier.arrive $0xFFFF  }
0x67: {  	_ =	shalt  }

// kernel: gather_offload_async_start
scs
__scs_entry_jumppad:
0x0: {  	(pc) =	sbr.rel $0x88, $3  }
0x1: {  	(tag) =	ssettag $0x0;
	lr =	simm.s32 $0x1  }
0x2: {  	[smem:$0x3F8A] =	sst lr;
	_ =	strace $0xD0000000  }
0x3: {  	_ = 	snop  }
0x4: {  	_ = 	snop  }
0x5: {  	_ = 	snop  }
0x6: {  	_ = 	snop  }
0x7: {  	_ = 	snop  }
__scs_overlays_trampoline_lowered:
0x8: {  	[smem:$0x3F99] =	sst s0  }
0x9: {  	[smem:$0x3F9A] =	sst s1  }
0xa: {  	[smem:$0x3F9B] =	sst s2  }
0xb: {  	[smem:$0x3F9C] =	sst s3  }
0xc: {  	[smem:$0x3F9D] =	sst s4  }
0xd: {  	[smem:$0x3F9E] =	sst s5  }
0xe: {  	[smem:$0x3F9F] =	sst s6  }
0xf: {  	[smem:$0x3FA0] =	sst s7  }
0x10: {  	[smem:$0x3FA1] =	sst s8  }
0x11: {  	[smem:$0x3FA2] =	sst s9;
	s0 =	simm.s32 @!p0 $0x0  }
0x12: {  	s1 =	sld [smem:$0x3F88];
	s0 =	simm.s32 @p0 $0x1  }
0x13: {  	[smem:$0x3FA3] =	sst s0;
	s0 =	simm.s32 @!p1 $0x0  }
0x14: {  	s2 =	sld [smem:$0x3F87];
	s0 =	simm.s32 @p1 $0x1  }
0x15: {  	[smem:$0x3FA4] =	sst s0;
	s0 =	simm.s32 @!p2 $0x0  }
0x16: {  	s3 =	sld [smem:$0x3FDB];
	s0 =	simm.s32 @p2 $0x1  }
0x17: {  	s4 =	simm.s32 $0x1BF5;
	[smem:$0x3FA6] =	sst s0  }
0x18: {  	s0 =	sld [smem:$0x3F89];
	_ =	swait.ge [sflag:s4], $0x0  }
0x19: {  	s7 =	sld [smem:$0x3F8A]  }
0x1a: {  	s8 =	sadd.s32 $0xFFFFE003, lr  }
0x1b: {  	s9 =	sadd.s32 $0xFFFFFEF7, lr;
	s5 =	simm.s32 $0xFFFFFFFF;
	p2 =	slt.u32 s8, $0xFFFFF086  }
0x1c: {  	p1 =	slt.u32 s9, $0xF7A;
	s5 =	simm.s32 @!p2 $0x0  }
0x1d: {  	s5 =	simm.s32 @p1 $0x1;
	p0 =	seq.s32 s7, s2  }
0x1e: {  	s7 =	smul.u32 @!p0 $0xF7A, s2;
	p2 =	seq.s32 @!p0 s5, $0x0  }
0x1f: {  	s9 =	smul.u32 $0xF7A, s1;
	s8 =	simm.s32 @!p0 $0x1BF5;
	p2 =	por !p2, p0  }
0x20: {  	[sflag:s8] =	ssyncset.s32 @!p0 $0xFFFFF086;
	s6 =	sadd.s32 @!p0 s3, s7;
	s7 =	simm.s32 @!p0 $0x108  }
0x21: {  	s3 =	sadd.s32 s3, s9;
	s6 =	sadd.s32 @!p0 $0x88, s6;
	s7 =	simm.s32 @p2 $0x1082  }
0x22: {  	[simem:s7], [sflag:s8] =	dma.local @!p0 [hbm:s6], $0xF7A  }
0x23: {  	s9 =	sor.u32 $0xD0000000, s2;
	s6 =	simm.s32 $0x108;
	_ =	swait.ge @!p0 [sflag:s8], $0x0  }
0x24: {  	s3 =	sadd.s32 $0x88, s3;
	s6 =	simm.s32 @!p1 $0x1082;
	[sflag:s4] =	ssyncset.s32 $0xFFFFF086  }
0x25: {  	[simem:s6], [sflag:s4] =	dma.local [hbm:s3], $0xF7A  }
0x26: {  	[smem:$0x3F8A] =	sst s1;
	(tag) =	ssettag s2;
	_ =	strace s9  }
0x27: {  	s1 =	sld [smem:$0x3F9A]  }
0x28: {  	s2 =	sld [smem:$0x3F9B]  }
0x29: {  	s4 =	sld [smem:$0x3F9D]  }
0x2a: {  	p0 =	seq.s32 s5, $0x0;
	s5 =	sld [smem:$0x3F9E]  }
0x2b: {  	s6 =	sld [smem:$0x3F9F]  }
0x2c: {  	s7 =	sld [smem:$0x3FA0]  }
0x2d: {  	s3 =	simm.s32 $0x108;
	s8 =	sld [smem:$0x3FA1]  }
0x2e: {  	s3 =	simm.s32 @!p0 $0x1082;
	s9 =	sld [smem:$0x3FA2]  }
0x2f: {  	lr =	sadd.s32 s0, s3;
	s0 =	sld [smem:$0x3F99]  }
0x30: {  	s3 =	sld [smem:$0x3F9C]  }
0x31: {  	[smem:$0x3FA5] =	sst s10  }
0x32: {  	s10 =	sld [smem:$0x3FA3];
	_ =	sdelay $0x3  }
0x33: {  	p0 =	seq.s32 s10, $0x1;
	s10 =	sld [smem:$0x3FA5];
	_ =	sdelay $0x3  }
0x34: {  	[smem:$0x3FA5] =	sst s10  }
0x35: {  	s10 =	sld [smem:$0x3FA4];
	_ =	sdelay $0x3  }
0x36: {  	p1 =	seq.s32 s10, $0x1;
	s10 =	sld [smem:$0x3FA5];
	_ =	sdelay $0x3  }
0x37: {  	[smem:$0x3FA5] =	sst s10  }
0x38: {  	s10 =	sld [smem:$0x3FA6]  }
0x39: {  	_ = 	snop;
	(pc) =	sbr.ind lr, $3  }
0x3a: {  	_ = 	snop  }
0x3b: {  	_ = 	snop  }
0x3c: {  	p2 =	seq.s32 s10, $0x1;
	s10 =	sld [smem:$0x3FA5]  }
0x3d: {  	_ =	shalt  }
0x3e: {  	_ =	shalt  }
0x3f: {  	_ =	shalt  }
0x40: {  	_ =	shalt  }
0x41: {  	_ =	shalt  }
0x42: {  	_ =	shalt  }
0x43: {  	_ =	shalt  }
0x44: {  	_ =	shalt  }
0x45: {  	_ =	shalt  }
0x46: {  	_ =	shalt  }
0x47: {  	_ =	shalt  }
0x48: {  	_ =	shalt  }
0x49: {  	_ =	shalt  }
0x4a: {  	_ =	shalt  }
0x4b: {  	_ =	shalt  }
0x4c: {  	_ =	shalt  }
0x4d: {  	_ =	shalt  }
0x4e: {  	_ =	shalt  }
0x4f: {  	_ =	shalt  }
0x50: {  	_ =	shalt  }
0x51: {  	_ =	shalt  }
0x52: {  	_ =	shalt  }
0x53: {  	_ =	shalt  }
0x54: {  	_ =	shalt  }
0x55: {  	_ =	shalt  }
0x56: {  	_ =	shalt  }
0x57: {  	_ =	shalt  }
0x58: {  	_ =	shalt  }
0x59: {  	_ =	shalt  }
0x5a: {  	_ =	shalt  }
0x5b: {  	_ =	shalt  }
0x5c: {  	_ =	shalt  }
0x5d: {  	_ =	shalt  }
0x5e: {  	_ =	shalt  }
0x5f: {  	_ =	shalt  }
0x60: {  	_ =	shalt  }
0x61: {  	_ =	shalt  }
0x62: {  	_ =	shalt  }
0x63: {  	_ =	shalt  }
0x64: {  	_ =	shalt  }
0x65: {  	_ =	shalt  }
0x66: {  	_ =	shalt  }
0x67: {  	_ =	shalt  }
0x68: {  	_ =	shalt  }
0x69: {  	_ =	shalt  }
0x6a: {  	_ =	shalt  }
0x6b: {  	_ =	shalt  }
0x6c: {  	_ =	shalt  }
0x6d: {  	_ =	shalt  }
0x6e: {  	_ =	shalt  }
0x6f: {  	_ =	shalt  }
0x70: {  	_ =	shalt  }
0x71: {  	_ =	shalt  }
0x72: {  	_ =	shalt  }
0x73: {  	_ =	shalt  }
0x74: {  	_ =	shalt  }
0x75: {  	_ =	shalt  }
0x76: {  	_ =	shalt  }
0x77: {  	_ =	shalt  }
0x78: {  	_ =	shalt  }
0x79: {  	_ =	shalt  }
0x7a: {  	_ =	shalt  }
0x7b: {  	_ =	shalt  }
0x7c: {  	_ =	shalt  }
0x7d: {  	_ =	shalt  }
0x7e: {  	_ =	shalt  }
0x7f: {  	_ =	shalt  }
0x80: {  	_ =	shalt  }
0x81: {  	_ =	shalt  }
0x82: {  	_ =	shalt  }
0x83: {  	_ =	shalt  }
0x84: {  	_ =	shalt  }
0x85: {  	_ =	shalt  }
0x86: {  	_ =	shalt  }
0x87: {  	_ =	shalt  }
.Lfunc_end0:
.L_simem_size_0:
called_computation.5_lowered:
.L_overlay_start_0:
0x88: {  	s2 =	sld [smem:$0x3FD9]  }
0x89: {  	s3 =	sld [smem:$0x3FFE];
	_ =	sdelay $0x1  }
0x8a: {  	s1 =	srdreg.scid  }
0x8b: {  	s0 =	sand.u32 $0x1, s1  }
0x8c: {  	s16 =	sshll.u32 s0, $0xA;
	s2 =	sadd.s32 s3, s2  }
0x8d: {  	s2 =	sadd.s32 s2, s16  }
0x8e: {  	[smem:$0x3FB1] =	sst s2  }
0x8f: {  	_ = 	snop  }
0x90: {  	(tm) =	ssettm $0x1  }
0x91: {  	s17 =	sld [smem:$0x3FFB];
	_ =	sdelay $0x3  }
0x92: {  	_ =	strace s17  }
0x93: {  	s2 =	sld [smem:$0x3FFC];
	_ =	sdelay $0x3  }
0x94: {  	_ =	strace s2  }
0x95: {  	s2 =	sld [smem:$0x3FFD];
	_ =	sdelay $0x3  }
0x96: {  	_ =	strace s2  }
0x97: {  	_ =	strace $0x8FFFFFFF  }
0x98: {  	s18 =	sld [smem:$0x3FDB];
	_ =	sdelay $0x1  }
0x99: {  	s19 =	simm.s32 $_scs_section_size  }
0x9a: {  	s4 =	simm.s32 $_size__tile_overlayer_lowered;
	s5 =	simm.s32 $_tile_overlayer_lowered  }
0x9b: {  	s22 =	simm.s32 $0x1BFF;
	s21 =	sshll.u32 s5, $0x1;
	s2 =	sadd.s32 s19, s18  }
0x9c: {  	s6 =	simm.s32 $0x0;
	s20 =	sshll.u32 s4, $0x1;
	s4 =	sadd.s32 s21, s2  }
0x9d: {  	[timem:s6], [sflag:s22] =	dma.local [hbm:s4], s20  }
0x9e: {  	_ =	swait.ge [sflag:s22], s20  }
0x9f: {  	s3 =	ssub.s32 $0x0, s20;
	[sflag:s22] =	ssyncset.done $0x0  }
0xa0: {  	[sflag:s22] =	ssyncadd.s32 s3;
	_ =	sdelay $0x1  }
0xa1: {  	s23 =	simm.s32 $0x1B8B  }
0xa2: {  	_ =	swait.ge [sflag:s23], $0x1  }
0xa3: {  	[sflag:s23] =	ssyncset.done $0x0  }
0xa4: {  	s25 =	simm.s32 $0x1B8E;
	s24 =	sld [smem:$0x3FFE];
	[sflag:s23] =	ssyncadd.s32 $0xFFFFFFFF  }
0xa5: {  	s26 =	simm.s32 $execute0_lowered;
	[smem:$0x3FD2] =	sst s25  }
0xa6: {  	s4 =	sshll.u32 s26, $0x1;
	_ =	strace $0x80000052;
	[dreg:$0x1] =	wrdreg $0xFFFFFFFF  }
0xa7: {  	s28 =	simm.s32 $_size_execute0_lowered;
	s2 =	sadd.s32 s2, s4;
	[dreg:$0x0] =	wrdreg $0x0  }
0xa8: {  	s4 =	sshll.u32 s28, $0x1;
	[dreg:$0x2] =	wrdreg s2  }
0xa9: {  	[dreg:$0x3] =	wrdreg s4  }
0xaa: {  	[dreg:$0x4] =	wrdreg $0xC0  }
0xab: {  	_ =	task [dreg:s6], $0x5FFFF  }
0xac: {  	[dreg:$0x1] =	wrdreg $0xFFFFFFFF  }
0xad: {  	[dreg:$0x0] =	wrdreg $0x60  }
0xae: {  	[dreg:$0x2] =	wrdreg s24  }
0xaf: {  	[dreg:$0x3] =	wrdreg $0x9  }
0xb0: {  	_ =	task.clear_ibuf [dreg:s6], $0x4FFFF;
	_ =	strace $0x90000052  }
0xb1: {  	s29 =	simm.s32 $0x9;
	_ =	strace $0x80000054  }
0xb2: {  	_ =	swait.ge [sflag:s29], $0x1  }
0xb3: {  	[sflag:s29] =	ssyncadd.s32 $0xFFFFFFFF  }
0xb4: {  	_ =	strace $0x90000054  }
0xb5: {  	_ =	sfence  }
0xb6: {  	s30 =	sld [smem:$0x0];
	_ =	sdelay $0x2  }
0xb7: {  	s31 =	sshll.u32 s1, $0xD;
	s1 =	sshrl.u32 s1, $0x2  }
0xb8: {  	s3 =	sand.u32 $0x4000, s31;
	s1 =	sadd.s32 s1, s30  }
0xb9: {  	s0 =	sor.u32 s3, s0;
	s1 =	sshll.u32 s1, $0x11  }
0xba: {  	s0 =	sor.u32 s1, s0  }
0xbb: {  	s0 =	sadd.s32 $0x8F2B, s0  }
0xbc: {  	[sflag:s0] =	ssyncadd.remote.s32 $0x1  }
0xbd: {  	_ =	sfence.sel $0xFFFF  }
0xbe: {  	[dreg:$0x0] =	wrdreg $0xFFFFFFFF;
	(pc) =	sbr.abs _section_cstart, $3  }
0xbf: {  	[dreg:$0x1] =	wrdreg $0xFFFFFFFF  }
0xc0: {  	_ =	task.clear_ibuf [dreg:s6], $0x2FFFF;
	_ =	strace $0x9FFFFFFF  }
0xc1: {  	(tm) =	ssettm $0x7FFFFFFF  }
tec
execute0_lowered:
.L_overlay_start_1:
0x0: {  	(tag) =	ssettag $0x1  }
0x1: {  	s2 =	rddreg [dreg:$0x0]  }
0x2: {  	s0 =	rddreg [dreg:$0x1]  }
0x3: {  	s1 =	srdreg.scid;
	_ =	strace $0x80000053;
	s4 =	simm.s32 $0x1  }
0x4: {  	s9 =	simm.s32 $0x3;
	s12 =	simm.s32 $0x0;
	s5 =	sshll.u32 s1, $0x4  }
.Ltmp0:
0x5: {  	s1 =	stileid.u32;
	s5 =	sand.u32 $0x10, s5;
	(pc) =	sbr.rel .LBB2_1-.Ltmp0, $4  }
0x6: {  	s10 =	simm.s32 $0x0;
	s3 =	sadd.s32 $0x240400, s2;
	s6 =	sor.u32 s1, s5  }
0x7: {  	[sflag:s4] =	ssyncpa.u1 $0x0;
	s5 =	simm.s32 $0x2;
	s6 =	sshll.u32 s6, $0x7  }
0x8: {  	s7 =	sadd.s32 $0x240600, s2;
	[sflag:s5] =	ssyncpa.u1 $0x0;
	s8 =	sadd.s32 $0x80, s6  }
0x9: {  	vm0 =	vmmov $0xff;
	vm1 =	vcmask $0x3F20;
	[sflag:s9] =	ssyncpa.u1 $0x0;
	s9 =	simm.s32 $0x80;
	s11 =	smov.u32 s6  }
.LBB2_9:
0xa: {  	p0 =	seq.s32 s10, $0x2  }
.Ltmp1:
0xb: {  	_ = 	snop;
	(pc) =	sbr.rel @p0 .LBB2_11-.Ltmp1, $1  }
0xc: {  	_ =	sdelay $0x3  }
.LBB2_10:
0xd: {  	s12 =	sadd.s32 $0x80, s11  }
0xe: {  	s13 =	smov.u32 s6;
	p0 =	slt.s32 s12, s8  }
0xf: {  	s13 =	smov.u32 @p0 s12  }
0x10: {  	s10 =	sadd.s32 $0x1, s10;
	s12 =	smov.u32 s11;
	s11 =	smov.u32 s13  }
.LBB2_1:
0x11: {  	p0 =	sne.s32 s10, $0x0  }
.Ltmp2:
0x12: {  	_ = 	snop;
	(pc) =	sbr.rel @!p0 .LBB2_2-.Ltmp2, $1  }
0x13: {  	_ =	sdelay $0x3  }
0x14: {  	s13 =	sand.u32 $0x1, s10  }
0x15: {  	p0 =	seq.s32 s13, $0x0  }
.Ltmp3:
0x16: {  	_ = 	snop;
	(pc) =	sbr.rel @p0 .LBB2_9-.Ltmp3, $1  }
0x17: {  	_ =	sdelay $0x3  }
0x18: {  	_ =	swait.ge [sflag:s5], $0x80  }
0x19: {  	[sflag:s5] =	ssyncset.done $0x0  }
0x1a: {  	s13 =	simm.s32 $0x0;
	[sflag:s5] =	ssyncadd.s32 $0xFFFFFF80  }
0x1b: {  	v0 =	vld.msk [tilespmem:s13+$0x80 ss:$0x1], $0xffff;
	_ =	sdelay $0x4  }
0x1c: {  	v1 =	vshll.u32 v0, $0x5  }
0x1d: {  	vm2 =	veq.s32 v0, $0x80000000;
	v0 =	vshll.u32 v0, $0x12;
	v1 =	vand.u32 $0x3FF80, v1  }
0x1e: {  	v0 =	vand.u32 $0xC0000, v0;
	v1 =	vsel vm2, $0xFFFFFF80, v1  }
0x1f: {  	v0 =	vsel vm2, $0xFFFC0000, v0;
	v2 =	vand.u32 $0xFFFFFC00, v1  }
0x20: {  	v1 =	vand.u32 $0x380, v1;
	v0 =	vadd.s32 v0, v2  }
0x21: {  	v0 =	vor.u32 v1, v0  }
0x22: {  	v0 =	vshrl.u32 v0, $0x3;
	_ =	sdelay $0x3  }
0x23: {  	s13 =	simm.s32 $0x4100  }
0x24: {  	[tilespmem:s13], [sflag:$0x1] =	stream.indirect_vreg.gather [hbm:s2], $0x80, v0, vm0, $0x38;
	[tilespmem:$0x8100] =	vst v63  }
0x25: {  	s14 =	simm.s32 $0x4500;
	s31 =	simm.s32 $0x10  }
0x26: {  	[tilespmem:s14], [sflag:$0x1] =	stream.indirect_vreg.gather [hbm:s2], $0x80, v0, vm1, $0x38;
	[tilespmem:$0x8100] =	vst v63  }
0x27: {  	s14 =	simm.s32 $0x80;
	v0 =	vld.msk [tilespmem:s31+$0x80 ss:$0x1], $0xffff  }
.LBB2_5:
0x28: {  	p0 =	sne.s32 s14, $0x1C0;
	_ =	sdelay $0x4  }
0x29: {  	v1 =	vshll.u32 v0, $0x5  }
0x2a: {  	vm2 =	veq.s32 v0, $0x80000000;
	v0 =	vshll.u32 v0, $0x12;
	v1 =	vand.u32 $0x3FF80, v1  }
0x2b: {  	v0 =	vand.u32 $0xC0000, v0;
	v1 =	vsel vm2, $0xFFFFFF80, v1  }
0x2c: {  	v0 =	vsel vm2, $0xFFFC0000, v0;
	v2 =	vand.u32 $0xFFFFFC00, v1  }
0x2d: {  	v1 =	vand.u32 $0x380, v1;
	v0 =	vadd.s32 v0, v2  }
0x2e: {  	v0 =	vor.u32 v1, v0  }
0x2f: {  	v0 =	vshrl.u32 v0, $0x3;
	_ =	sdelay $0x3  }
.Ltmp4:
0x30: {  	s13 =	sadd.s32 $0x800, s13;
	(pc) =	sbr.rel @p0 .LBB2_5-.Ltmp4, $4  }
0x31: {  	[tilespmem:s13], [sflag:$0x1] =	stream.indirect_vreg.gather [hbm:s2], $0x80, v0, vm0, $0x38;
	[tilespmem:$0x8100] =	vst v63  }
0x32: {  	s15 =	sshra.s32 s14, $0x2;
	s16 =	sadd.s32 $0x400, s13  }
0x33: {  	[tilespmem:s16], [sflag:$0x1] =	stream.indirect_vreg.gather [hbm:s2], $0x80, v0, vm1, $0x38;
	[tilespmem:$0x8100] =	vst v63  }
0x34: {  	s14 =	sadd.s32 $0x40, s14;
	v0 =	vld.msk [tilespmem:s15+$0x80 ss:$0x1], $0xffff  }
0x35: {  	_ =	sdelay $0x3  }
0x36: {  	v1 =	vshll.u32 v0, $0x5  }
0x37: {  	vm2 =	veq.s32 v0, $0x80000000;
	v63 =	vshll.u32 v0, $0x12;
	v1 =	vand.u32 $0x3FF80, v1  }
0x38: {  	v0 =	vand.u32 $0xC0000, v63;
	v1 =	vsel vm2, $0xFFFFFF80, v1  }
0x39: {  	v0 =	vsel vm2, $0xFFFC0000, v0;
	v2 =	vand.u32 $0xFFFFFC00, v1  }
0x3a: {  	v1 =	vand.u32 $0x380, v1;
	v0 =	vadd.s32 v0, v2  }
0x3b: {  	v0 =	vor.u32 v1, v0  }
0x3c: {  	v0 =	vshrl.u32 v0, $0x3;
	_ =	sdelay $0x3  }
0x3d: {  	s13 =	sadd.s32 $0x800, s13  }
0x3e: {  	[tilespmem:s13], [sflag:$0x1] =	stream.indirect_vreg.gather [hbm:s2], $0x80, v0, vm0, $0x38;
	[tilespmem:$0x8100] =	vst v63  }
0x3f: {  	s13 =	sadd.s32 $0x400, s13  }
0x40: {  	[tilespmem:s13], [sflag:$0x1] =	stream.indirect_vreg.gather [hbm:s2], $0x80, v0, vm1, $0x38;
	[tilespmem:$0x8100] =	vst v63  }
0x41: {  	s12 =	sshll.u32 s12, $0x4;
	s14 =	simm.s32 $0x80;
	_ =	swait.ge [sflag:s4], $0x4000  }
0x42: {  	s15 =	simm.s32 $0x4500;
	s12 =	sadd.s32 s12, s7;
	[sflag:s4] =	ssyncset.done $0x0  }
0x43: {  	s16 =	sadd.s32 $0x0, s12;
	s13 =	simm.s32 $0x4100;
	[sflag:s4] =	ssyncadd.s32 $0xFFFFC000  }
.LBB2_7:
0x44: {  	[hbm:s16] =	stream.linear.scatter [tilespmem:s13], [sflag:$0x3], $0x400, $0x38;
	[tilespmem:$0x8100] =	vst v63  }
0x45: {  	s16 =	smov.u32 s14;
	s13 =	smov.u32 s15;
	p0 =	sne.s32 s14, $0x780  }
.Ltmp5:
0x46: {  	s14 =	sadd.s32 $0x80, s14;
	(pc) =	sbr.rel @p0 .LBB2_7-.Ltmp5, $2  }
0x47: {  	_ =	sdelay $0x2  }
0x48: {  	s15 =	sadd.s32 $0x400, s15;
	s16 =	sadd.s32 s16, s12  }
.Ltmp6:
0x49: {  	(pc) =	sbr.rel .LBB2_9-.Ltmp6, $2  }
0x4a: {  	_ =	sdelay $0x2  }
0x4b: {  	[hbm:s16] =	stream.linear.scatter [tilespmem:s13], [sflag:$0x3], $0x400, $0x38;
	[tilespmem:$0x8100] =	vst v63  }
.LBB2_2:
.Ltmp7:
0x4c: {  	(pc) =	sbr.rel .LBB2_10-.Ltmp7, $4  }
0x4d: {  	_ = 	snop  }
0x4e: {  	s12 =	sshrl.u32 s11, $0x3  }
0x4f: {  	s13 =	sand.u32 $0x7, s11;
	s12 =	sadd.s32 s3, s12  }
0x50: {  	[tilespmem:s9], [sflag:$0x2] =	stream.linear.gather [hbm4b:s12+s13], $0x80, $0x38;
	[tilespmem:$0x8100] =	vst v63  }
.LBB2_11:
0x51: {  	s2 =	simm.s32 $0x3  }
0x52: {  	_ =	swait.ge [sflag:s2], $0x4000  }
0x53: {  	[sflag:s2] =	ssyncset.done $0x0  }
0x54: {  	[sflag:s2] =	ssyncadd.s32 $0xFFFFC000  }
0x55: {  	_ =	sfence.sel $0x180000  }
0x56: {  	s3 =	simm.s32 $0x2;
	[bflag:$0x0] =	sbarrier.arrive $0xFFFF  }
0x57: {  	[sflag:s3] =	ssyncpa.u1 $0x1  }
0x58: {  	s31 =	simm.s32 $0x1;
	[sflag:s2] =	ssyncpa.u1 $0x1  }
0x59: {  	[sflag:s31] =	ssyncpa.u1 $0x1  }
0x5a: {  	p0 =	sne.s32 s1, $0x0;
	_ =	strace $0x90000053  }
0x5b: {  	s0 =	sadd.s32 @!p0 $0x100000, s0;
	[bflag:$0x2] =	sbarrier.arrive $0xFFFF  }
0x5c: {  	[sflag:s0] =	ssyncadd.tile.s32 @!p0 $0x1;
	_ =	shalt  }
.Lfunc_end2:
_tile_overlayer_lowered:
.L_overlay_start_2:
0x5d: {  	(tag) =	ssettag $0x2  }
0x5e: {  	s0 =	rddreg [dreg:$0x0];
	s2 =	stileid.u32  }
0x5f: {  	s1 =	rddreg [dreg:$0x1];
	p0 =	sne.s32 s2, $0x0  }
0x60: {  	s3 =	rddreg [dreg:$0x2];
	[bflag:$0x3] =	sbarrier.arrive $0xFFFF;
	s2 =	simm.s32 @!p0 $0x1C01  }
0x61: {  	[timem:s3], [sflag:s2] =	dma.local @!p0 [hbm:s0], s1  }
0x62: {  	s0 =	simm.s32 @!p0 $0x1  }
0x63: {  	_ =	swait.ge @!p0 [sflag:s0], s1  }
0x64: {  	s1 =	ssub.s32 @!p0 $0x0, s1;
	[sflag:s0] =	ssyncset.done @!p0 $0x0  }
0x65: {  	[sflag:s0] =	ssyncadd.s32 @!p0 s1  }
0x66: {  	[bflag:$0x3] =	sbarrier.arrive $0xFFFF  }
0x67: {  	_ =	shalt  }

// kernel: sparse-core-data-format-call.1.cloned.1.call-start
scs
called_computation.1_lowered:
.L_overlay_start_0:
0x0: {  	s1 =	sld [smem:$0x3FD9]  }
0x1: {  	s2 =	sld [smem:$0x3FFE];
	_ =	sdelay $0x1  }
0x2: {  	s3 =	srdreg.scid  }
0x3: {  	s0 =	sand.u32 $0x1, s3  }
0x4: {  	s17 =	sshll.u32 s0, $0xA;
	s1 =	sadd.s32 s2, s1  }
0x5: {  	s1 =	sadd.s32 s1, s17  }
0x6: {  	[smem:$0x3FB1] =	sst s1  }
0x7: {  	_ = 	snop  }
0x8: {  	(tm) =	ssettm $0x1  }
0x9: {  	s18 =	sld [smem:$0x3FFB];
	_ =	sdelay $0x3  }
0xa: {  	_ =	strace s18  }
0xb: {  	s1 =	sld [smem:$0x3FFC];
	_ =	sdelay $0x3  }
0xc: {  	_ =	strace s1  }
0xd: {  	s1 =	sld [smem:$0x3FFD];
	_ =	sdelay $0x3  }
0xe: {  	_ =	strace s1  }
0xf: {  	_ =	strace $0x8FFFFFFF  }
0x10: {  	s19 =	sld [smem:$0x3FDB];
	_ =	sdelay $0x1  }
0x11: {  	s20 =	simm.s32 $_scs_section_size  }
0x12: {  	s4 =	simm.s32 $_size__tile_overlayer_lowered;
	s5 =	simm.s32 $_tile_overlayer_lowered  }
0x13: {  	s23 =	simm.s32 $0x1BFF;
	s22 =	sshll.u32 s5, $0x1;
	s1 =	sadd.s32 s20, s19  }
0x14: {  	s6 =	simm.s32 $0x0;
	s21 =	sshll.u32 s4, $0x1;
	s4 =	sadd.s32 s22, s1  }
0x15: {  	[timem:s6], [sflag:s23] =	dma.local [hbm:s4], s21  }
0x16: {  	_ =	swait.ge [sflag:s23], s21  }
0x17: {  	s2 =	ssub.s32 $0x0, s21;
	[sflag:s23] =	ssyncset.done $0x0  }
0x18: {  	[sflag:s23] =	ssyncadd.s32 s2;
	_ =	sdelay $0x1  }
0x19: {  	s24 =	simm.s32 $0x1B8B  }
0x1a: {  	_ =	swait.ge [sflag:s24], $0x1  }
0x1b: {  	[sflag:s24] =	ssyncset.done $0x0  }
0x1c: {  	s26 =	simm.s32 $0x1B8E;
	s25 =	sld [smem:$0x3FFE];
	[sflag:s24] =	ssyncadd.s32 $0xFFFFFFFF  }
0x1d: {  	s27 =	simm.s32 $execute0_lowered;
	[smem:$0x3FD2] =	sst s26  }
0x1e: {  	s4 =	sshll.u32 s27, $0x1;
	_ =	strace $0x8000004F;
	[dreg:$0x1] =	wrdreg $0xFFFFFFFF  }
0x1f: {  	s28 =	simm.s32 $_size_execute0_lowered;
	s1 =	sadd.s32 s1, s4;
	[dreg:$0x0] =	wrdreg $0x0  }
0x20: {  	s4 =	sshll.u32 s28, $0x1;
	[dreg:$0x2] =	wrdreg s1  }
0x21: {  	[dreg:$0x3] =	wrdreg s4  }
0x22: {  	[dreg:$0x4] =	wrdreg $0xC0  }
0x23: {  	_ =	task [dreg:s6], $0x5FFFF  }
0x24: {  	[dreg:$0x1] =	wrdreg $0xFFFFFFFF  }
0x25: {  	[dreg:$0x0] =	wrdreg $0x60  }
0x26: {  	[dreg:$0x2] =	wrdreg s25  }
0x27: {  	[dreg:$0x3] =	wrdreg $0x9  }
0x28: {  	_ =	task.clear_ibuf [dreg:s6], $0x4FFFF;
	_ =	strace $0x9000004F  }
0x29: {  	s29 =	simm.s32 $0x9;
	_ =	strace $0x80000051  }
0x2a: {  	_ =	swait.ge [sflag:s29], $0x1  }
0x2b: {  	[sflag:s29] =	ssyncadd.s32 $0xFFFFFFFF  }
0x2c: {  	_ =	strace $0x90000051  }
0x2d: {  	_ =	sfence  }
0x2e: {  	s30 =	sld [smem:$0x0];
	_ =	sdelay $0x2  }
0x2f: {  	s31 =	sshll.u32 s3, $0xD;
	s3 =	sshrl.u32 s3, $0x2  }
0x30: {  	s2 =	sand.u32 $0x4000, s31;
	s1 =	sadd.s32 s3, s30  }
0x31: {  	s0 =	sor.u32 s2, s0;
	s1 =	sshll.u32 s1, $0x11  }
0x32: {  	s0 =	sor.u32 s1, s0  }
0x33: {  	s0 =	sadd.s32 $0x8F2B, s0  }
0x34: {  	[sflag:s0] =	ssyncadd.remote.s32 $0x1  }
0x35: {  	_ =	sfence.sel $0xFFFF  }
0x36: {  	[dreg:$0x0] =	wrdreg $0xFFFFFFFF;
	(pc) =	sbr.abs _section_cstart, $3  }
0x37: {  	[dreg:$0x1] =	wrdreg $0xFFFFFFFF  }
0x38: {  	_ =	task.clear_ibuf [dreg:s6], $0x2FFFF;
	_ =	strace $0x9FFFFFFF  }
0x39: {  	(tm) =	ssettm $0x7FFFFFFF  }
tec
execute0_lowered:
.L_overlay_start_1:
0x0: {  	(tag) =	ssettag $0x1  }
0x1: {  	s0 =	stileid.u32;
	s1 =	srdreg.scid  }
0x2: {  	s4 =	rddreg [dreg:$0x0];
	s7 =	simm.s32 $0x1;
	s31 =	simm.s32 $0x2  }
0x3: {  	s16 =	simm.s32 $0x0;
	s2 =	sshll.u32 s0, $0x5;
	s1 =	sshll.u32 s1, $0x9  }
0x4: {  	s9 =	simm.s32 $0x4000;
	s14 =	simm.s32 $0x0;
	s1 =	sor.u32 s2, s1  }
0x5: {  	s15 =	simm.s32 $0x0;
	s10 =	simm.s32 $0x0;
	s2 =	sand.u32 $0x380, s1  }
0x6: {  	s13 =	simm.s32 $0x0;
	s3 =	sadd.s32 $0x240400, s4;
	s5 =	ssub.s32 $0x800, s2  }
0x7: {  	s4 =	sadd.s32 $0x440400, s4;
	s1 =	rddreg [dreg:$0x1];
	s6 =	sand.u32 $0x380, s5  }
.Ltmp0:
0x8: {  	_ =	strace $0x80000050;
	p0 =	sne.s32 s6, $0x0;
	(pc) =	sbr.rel .LBB1_1-.Ltmp0, $4  }
0x9: {  	s11 =	smov.u32 s2;
	s8 =	sshrl.u32 s5, $0xA;
	s7 =	simm.s32 @!p0 $0x0  }
0xa: {  	s5 =	sand.u32 $0x3, s0;
	s6 =	simm.s32 $0x1;
	s7 =	sadd.s32 s7, s8  }
0xb: {  	s12 =	smov.u32 s5;
	[sflag:s6] =	ssyncpa.u1 $0x0;
	s7 =	sshll.u32 s7, $0x4  }
0xc: {  	p0 =	por $0x0, $0x0;
	[sflag:s31] =	ssyncpa.u1 $0x0;
	s8 =	sor.u32 $0x1, s7  }
.LBB1_4:
0xd: {  	v5 =	vld [tilespmem:s19+$0xFFFFFFD0]  }
0xe: {  	[tilespmem:s20+$0x2040 ss:$0x81] =	vst.msk $0xffff, v1;
	v58 =	vld [tilespmem:s19+$0xFFFFFFE0]  }
0xf: {  	[tilespmem:s20+$0x2850 ss:$0x81] =	vst.msk $0xffff, v2;
	v59 =	vld [tilespmem:s19+$0xFFFFFFF0]  }
0x10: {  	s21 =	sshra.s32 s21, $0x2;
	[tilespmem:s20+$0x3060 ss:$0x81] =	vst.msk $0xffff, v3;
	v60 =	vld [tilespmem:s19+$0x0]  }
0x11: {  	[tilespmem:s20+$0x0 ss:$0x81] =	vst.msk $0xffff, v0;
	v61 =	vld [tilespmem:s19+$0x10];
	s18 =	sadd.s32 s21, s18  }
0x12: {  	s26 =	sshll.u32 s16, $0xB;
	v62 =	vld [tilespmem:s19+$0x20];
	[tilespmem:s18+$0x3870 ss:$0x81] =	vst.msk $0xffff, v4  }
0x13: {  	s27 =	sand.u32 $0x78, s14;
	s22 =	sshll.u32 s14, $0x3;
	v63 =	vld [tilespmem:s19+$0xFFFFFFC0];
	s29 =	sshll.u32 s16, $0x7;
	[tilespmem:s18+$0x810 ss:$0x81] =	vst.msk $0xffff, v5  }
0x14: {  	s15 =	sshll.u32 s15, $0x13;
	s20 =	sand.u32 $0x3FC000, s26;
	s28 =	sand.u32 $0x3FFC00, s22;
	[tilespmem:s18+$0x1020 ss:$0x81] =	vst.msk $0xffff, v58  }
0x15: {  	s31 =	sand.u32 $0x7, s14;
	s22 =	sand.u32 $0x400, s22;
	s19 =	sadd.s32 s28, s20;
	[tilespmem:s18+$0x1830 ss:$0x81] =	vst.msk $0xffff, v59  }
0x16: {  	s16 =	sand.u32 $0x380, s29;
	s30 =	sor.u32 s27, s22;
	s19 =	sshrl.u32 s19, $0x3;
	[tilespmem:s18+$0x2040 ss:$0x81] =	vst.msk $0xffff, v60  }
0x17: {  	s15 =	sadd.s32 s4, s15;
	s16 =	sor.u32 s16, s30;
	s19 =	sand.u32 $0x7FF00, s19;
	[tilespmem:s18+$0x2850 ss:$0x81] =	vst.msk $0xffff, v61  }
0x18: {  	s14 =	sshll.u32 s31, $0x12;
	s16 =	sshrl.u32 s16, $0x3;
	[tilespmem:s18+$0x3060 ss:$0x81] =	vst.msk $0xffff, v62;
	s15 =	sadd.s32 s19, s15  }
0x19: {  	s14 =	sor.u32 $0x400, s14;
	[tilespmem:s18+$0x0 ss:$0x81] =	vst.msk $0xffff, v63;
	s15 =	sadd.s32 s16, s15  }
0x1a: {  	[hbm4b:s15+s14] =	stream.strided.scatter [tilespmem:s17], [sflag:$0x2], $0x4000, s9, s14, $0x20;
	[tilespmem:$0x10100] =	vst v63  }
.LBB1_5:
0x1b: {  	s17 =	sadd.s32 $0x80, s10  }
0x1c: {  	s14 =	sadd.s32 $0x400, s11;
	s18 =	smov.u32 s11;
	p2 =	sgt.s32 s17, $0x7FF  }
0x1d: {  	s18 =	smov.u32 @p2 s14  }
0x1e: {  	s20 =	smov.u32 s12;
	s14 =	sadd.s32 $0x4, s12;
	p3 =	sgt.s32 s18, $0x7FF  }
0x1f: {  	s20 =	smov.u32 @p3 s14  }
0x20: {  	s17 =	simm.s32 @p2 $0x0;
	p2 =	sgt.s32 s20, $0x3  }
0x21: {  	p1 =	slt.u32 s13, $0x2;
	s20 =	smov.u32 @p2 s5;
	p2 =	sne.s32 s13, s8  }
.Ltmp1:
0x22: {  	s19 =	simm.s32 @!p1 $0x2;
	(pc) =	sbr.rel @!p2 .LBB1_6-.Ltmp1, $4  }
0x23: {  	s16 =	smov.u32 s10;
	s15 =	smov.u32 s12;
	_ =	swait.ge @!p1 [sflag:s19], $0x4000  }
0x24: {  	p0 =	por !p0, !p0;
	[sflag:s19] =	ssyncset.done @!p1 $0x0;
	s10 =	smov.u32 s17  }
0x25: {  	s18 =	smov.u32 @p3 s2;
	s14 =	smov.u32 s11;
	[sflag:s19] =	ssyncadd.s32 @!p1 $0xFFFFC000  }
0x26: {  	s11 =	smov.u32 s18;
	s13 =	sadd.s32 $0x1, s13;
	s12 =	smov.u32 s20  }
.LBB1_1:
0x27: {  	p1 =	sge.u32 s13, s7;
	s31 =	sadd.s32 $0xFFFFFFFF, s13  }
0x28: {  	s17 =	sxor.u32 @!p1 $0xFFFFFFFF, s13;
	s18 =	sand.u32 @!p1 $0x78, s10;
	s19 =	sshll.u32 @!p1 s11, $0xB  }
0x29: {  	s20 =	sshll.u32 @!p1 s11, $0x7;
	s21 =	sshll.u32 @!p1 s10, $0x3;
	s17 =	sshll.u32 @!p1 s17, $0xE  }
0x2a: {  	s19 =	sand.u32 @!p1 $0x3FC000, s19;
	s20 =	sand.u32 @!p1 $0x380, s20;
	s17 =	sand.u32 @!p1 $0x4000, s17  }
0x2b: {  	s19 =	sadd.s32 @!p1 s19, s21;
	s21 =	sand.u32 @!p1 $0x400, s21;
	s18 =	sor.u32 @!p1 s20, s18  }
0x2c: {  	s20 =	sshll.u32 @!p1 s12, $0x13;
	s18 =	sor.u32 @!p1 s21, s18;
	s19 =	sshrl.u32 @!p1 s19, $0x3  }
0x2d: {  	s20 =	sadd.s32 @!p1 s3, s20;
	s21 =	sand.u32 @!p1 $0x7, s10;
	s19 =	sand.u32 @!p1 $0x7FF00, s19  }
0x2e: {  	s18 =	sshrl.u32 @!p1 s18, $0x3;
	s19 =	sadd.s32 @!p1 s19, s20;
	s20 =	sshll.u32 @!p1 s21, $0x12  }
0x2f: {  	s18 =	sadd.s32 @!p1 s18, s19;
	s19 =	sor.u32 @!p1 $0x400, s20;
	s20 =	simm.s32 @!p1 $0x4000  }
0x30: {  	[tilespmem:s17], [sflag:$0x1] =	stream.strided.gather @!p1 [hbm4b:s18+s19], $0x4000, s20, s19, $0x38;
	[tilespmem:$0x10100] =	vst v63  }
0x31: {  	p1 =	sge.u32 s31, s7  }
.Ltmp2:
0x32: {  	_ = 	snop;
	(pc) =	sbr.rel @p1 .LBB1_5-.Ltmp2, $1  }
0x33: {  	_ =	sdelay $0x3  }
0x34: {  	s17 =	simm.s32 $0x1  }
0x35: {  	_ =	swait.ge [sflag:s6], $0x4000;
	s17 =	simm.s32 @!p0 $0x0  }
0x36: {  	[sflag:s6] =	ssyncset.done $0x0;
	s18 =	sshll.u32 s17, $0xE  }
0x37: {  	[sflag:s6] =	ssyncadd.s32 $0xFFFFC000;
	s19 =	sor.u32 $0x40, s18  }
0x38: {  	s17 =	smul.u32 $0x10200, s17;
	v0 =	vld [tilespmem:s19+$0x30]  }
0x39: {  	v3 =	vld [tilespmem:s19+$0xFFFFFFD0]  }
0x3a: {  	s17 =	sshrl.u32 s17, $0x2;
	v4 =	vld [tilespmem:s19+$0xFFFFFFE0]  }
0x3b: {  	v5 =	vld [tilespmem:s19+$0xFFFFFFF0];
	s18 =	sor.u32 $0x8000, s17  }
0x3c: {  	s31 =	sand.u32 $0x1, s13;
	v1 =	vld [tilespmem:s19+$0x0];
	s20 =	sadd.s32 $0x0, s18  }
0x3d: {  	v2 =	vld [tilespmem:s19+$0x10];
	s17 =	smul.u32 $0x10200, s31;
	[tilespmem:s20+$0x3870 ss:$0x81] =	vst.msk $0xffff, v0  }
0x3e: {  	[tilespmem:s20+$0x810 ss:$0x81] =	vst.msk $0xffff, v3;
	v3 =	vld [tilespmem:s19+$0x20]  }
0x3f: {  	s17 =	sshrl.u32 s17, $0x2;
	v0 =	vld [tilespmem:s19+$0xFFFFFFC0];
	[tilespmem:s20+$0x1020 ss:$0x81] =	vst.msk $0xffff, v4;
	s19 =	sadd.s32 $0x80, s19  }
0x40: {  	s21 =	simm.s32 $0x4;
	s22 =	simm.s32 $0x8;
	s17 =	sor.u32 $0x8000, s17;
	[tilespmem:s20+$0x1830 ss:$0x81] =	vst.msk $0xffff, v5;
	v4 =	vld [tilespmem:s19+$0x30]  }
.LBB1_3:
0x41: {  	p1 =	sne.s32 s22, $0x1FC;
	v5 =	vld [tilespmem:s19+$0xFFFFFFD0];
	[tilespmem:s20+$0x2040 ss:$0x81] =	vst.msk $0xffff, v1  }
0x42: {  	v6 =	vld [tilespmem:s19+$0xFFFFFFE0];
	[tilespmem:s20+$0x2850 ss:$0x81] =	vst.msk $0xffff, v2  }
0x43: {  	s23 =	sshra.s32 s21, $0x2;
	s21 =	smov.u32 s22;
	v7 =	vld [tilespmem:s19+$0xFFFFFFF0];
	[tilespmem:s20+$0x3060 ss:$0x81] =	vst.msk $0xffff, v3  }
.Ltmp3:
0x44: {  	v1 =	vld [tilespmem:s19+$0x0];
	[tilespmem:s20+$0x0 ss:$0x81] =	vst.msk $0xffff, v0;
	s20 =	sadd.s32 s23, s18;
	(pc) =	sbr.rel @p1 .LBB1_3-.Ltmp3, $4  }
0x45: {  	v2 =	vld [tilespmem:s19+$0x10];
	[tilespmem:s20+$0x3870 ss:$0x81] =	vst.msk $0xffff, v4  }
0x46: {  	[tilespmem:s20+$0x810 ss:$0x81] =	vst.msk $0xffff, v5;
	v3 =	vld [tilespmem:s19+$0x20]  }
0x47: {  	v0 =	vld [tilespmem:s19+$0xFFFFFFC0];
	[tilespmem:s20+$0x1020 ss:$0x81] =	vst.msk $0xffff, v6;
	s19 =	sadd.s32 $0x80, s19  }
0x48: {  	s22 =	sadd.s32 $0x4, s22;
	v4 =	vld [tilespmem:s19+$0x30];
	[tilespmem:s20+$0x1830 ss:$0x81] =	vst.msk $0xffff, v7  }
.Ltmp4:
0x49: {  	_ = 	snop;
	(pc) =	sbr.rel .LBB1_4-.Ltmp4, $1  }
0x4a: {  	_ =	sdelay $0x3  }
.LBB1_6:
0x4b: {  	_ =	sfence.sel $0x180000  }
0x4c: {  	s2 =	simm.s32 $0x1;
	[bflag:$0x0] =	sbarrier.arrive $0xFFFF  }
0x4d: {  	s31 =	simm.s32 $0x2;
	[sflag:s2] =	ssyncpa.u1 $0x1  }
0x4e: {  	[sflag:s31] =	ssyncpa.u1 $0x1  }
0x4f: {  	p0 =	sne.s32 s0, $0x0;
	_ =	strace $0x90000050  }
0x50: {  	s0 =	sadd.s32 @!p0 $0x100000, s1;
	[bflag:$0x2] =	sbarrier.arrive $0xFFFF  }
0x51: {  	[sflag:s0] =	ssyncadd.tile.s32 @!p0 $0x1;
	_ =	shalt  }
.Lfunc_end1:
_tile_overlayer_lowered:
.L_overlay_start_2:
0x52: {  	(tag) =	ssettag $0x2  }
0x53: {  	s0 =	rddreg [dreg:$0x0];
	s2 =	stileid.u32  }
0x54: {  	s1 =	rddreg [dreg:$0x1];
	p0 =	sne.s32 s2, $0x0  }
0x55: {  	s3 =	rddreg [dreg:$0x2];
	[bflag:$0x3] =	sbarrier.arrive $0xFFFF;
	s2 =	simm.s32 @!p0 $0x1C01  }
0x56: {  	[timem:s3], [sflag:s2] =	dma.local @!p0 [hbm:s0], s1  }
0x57: {  	s0 =	simm.s32 @!p0 $0x1  }
0x58: {  	_ =	swait.ge @!p0 [sflag:s0], s1  }
0x59: {  	s1 =	ssub.s32 @!p0 $0x0, s1;
	[sflag:s0] =	ssyncset.done @!p0 $0x0  }
0x5a: {  	[sflag:s0] =	ssyncadd.s32 @!p0 s1  }
0x5b: {  	[bflag:$0x3] =	sbarrier.arrive $0xFFFF  }
0x5c: {  	_ =	shalt  }

// kernel: sparse-core-data-format-call.2.cloned.1.call-start
scs
called_computation.2_lowered:
.L_overlay_start_0:
0x0: {  	s1 =	sld [smem:$0x3FD9]  }
0x1: {  	s2 =	sld [smem:$0x3FFE];
	_ =	sdelay $0x1  }
0x2: {  	s3 =	srdreg.scid  }
0x3: {  	s0 =	sand.u32 $0x1, s3  }
0x4: {  	s17 =	sshll.u32 s0, $0xA;
	s1 =	sadd.s32 s2, s1  }
0x5: {  	s1 =	sadd.s32 s1, s17  }
0x6: {  	[smem:$0x3FB1] =	sst s1  }
0x7: {  	_ = 	snop  }
0x8: {  	(tm) =	ssettm $0x1  }
0x9: {  	s18 =	sld [smem:$0x3FFB];
	_ =	sdelay $0x3  }
0xa: {  	_ =	strace s18  }
0xb: {  	s1 =	sld [smem:$0x3FFC];
	_ =	sdelay $0x3  }
0xc: {  	_ =	strace s1  }
0xd: {  	s1 =	sld [smem:$0x3FFD];
	_ =	sdelay $0x3  }
0xe: {  	_ =	strace s1  }
0xf: {  	_ =	strace $0x8FFFFFFF  }
0x10: {  	s19 =	sld [smem:$0x3FDB];
	_ =	sdelay $0x1  }
0x11: {  	s20 =	simm.s32 $_scs_section_size  }
0x12: {  	s4 =	simm.s32 $_size__tile_overlayer_lowered;
	s5 =	simm.s32 $_tile_overlayer_lowered  }
0x13: {  	s23 =	simm.s32 $0x1BFF;
	s22 =	sshll.u32 s5, $0x1;
	s1 =	sadd.s32 s20, s19  }
0x14: {  	s6 =	simm.s32 $0x0;
	s21 =	sshll.u32 s4, $0x1;
	s4 =	sadd.s32 s22, s1  }
0x15: {  	[timem:s6], [sflag:s23] =	dma.local [hbm:s4], s21  }
0x16: {  	_ =	swait.ge [sflag:s23], s21  }
0x17: {  	s2 =	ssub.s32 $0x0, s21;
	[sflag:s23] =	ssyncset.done $0x0  }
0x18: {  	[sflag:s23] =	ssyncadd.s32 s2;
	_ =	sdelay $0x1  }
0x19: {  	s24 =	simm.s32 $0x1B8B  }
0x1a: {  	_ =	swait.ge [sflag:s24], $0x1  }
0x1b: {  	[sflag:s24] =	ssyncset.done $0x0  }
0x1c: {  	s26 =	simm.s32 $0x1B8E;
	s25 =	sld [smem:$0x3FFE];
	[sflag:s24] =	ssyncadd.s32 $0xFFFFFFFF  }
0x1d: {  	s27 =	simm.s32 $execute0_lowered;
	[smem:$0x3FD2] =	sst s26  }
0x1e: {  	s4 =	sshll.u32 s27, $0x1;
	_ =	strace $0x8000004C;
	[dreg:$0x1] =	wrdreg $0xFFFFFFFF  }
0x1f: {  	s28 =	simm.s32 $_size_execute0_lowered;
	s1 =	sadd.s32 s1, s4;
	[dreg:$0x0] =	wrdreg $0x0  }
0x20: {  	s4 =	sshll.u32 s28, $0x1;
	[dreg:$0x2] =	wrdreg s1  }
0x21: {  	[dreg:$0x3] =	wrdreg s4  }
0x22: {  	[dreg:$0x4] =	wrdreg $0xC0  }
0x23: {  	_ =	task [dreg:s6], $0x5FFFF  }
0x24: {  	[dreg:$0x1] =	wrdreg $0xFFFFFFFF  }
0x25: {  	[dreg:$0x0] =	wrdreg $0x60  }
0x26: {  	[dreg:$0x2] =	wrdreg s25  }
0x27: {  	[dreg:$0x3] =	wrdreg $0x9  }
0x28: {  	_ =	task.clear_ibuf [dreg:s6], $0x4FFFF;
	_ =	strace $0x9000004C  }
0x29: {  	s29 =	simm.s32 $0x9;
	_ =	strace $0x8000004E  }
0x2a: {  	_ =	swait.ge [sflag:s29], $0x1  }
0x2b: {  	[sflag:s29] =	ssyncadd.s32 $0xFFFFFFFF  }
0x2c: {  	_ =	strace $0x9000004E  }
0x2d: {  	_ =	sfence  }
0x2e: {  	s30 =	sld [smem:$0x0];
	_ =	sdelay $0x2  }
0x2f: {  	s31 =	sshll.u32 s3, $0xD;
	s3 =	sshrl.u32 s3, $0x2  }
0x30: {  	s2 =	sand.u32 $0x4000, s31;
	s1 =	sadd.s32 s3, s30  }
0x31: {  	s0 =	sor.u32 s2, s0;
	s1 =	sshll.u32 s1, $0x11  }
0x32: {  	s0 =	sor.u32 s1, s0  }
0x33: {  	s0 =	sadd.s32 $0x8F2B, s0  }
0x34: {  	[sflag:s0] =	ssyncadd.remote.s32 $0x1  }
0x35: {  	_ =	sfence.sel $0xFFFF  }
0x36: {  	[dreg:$0x0] =	wrdreg $0xFFFFFFFF;
	(pc) =	sbr.abs _section_cstart, $3  }
0x37: {  	[dreg:$0x1] =	wrdreg $0xFFFFFFFF  }
0x38: {  	_ =	task.clear_ibuf [dreg:s6], $0x2FFFF;
	_ =	strace $0x9FFFFFFF  }
0x39: {  	(tm) =	ssettm $0x7FFFFFFF  }
tec
execute0_lowered:
.L_overlay_start_1:
0x0: {  	(tag) =	ssettag $0x1  }
0x1: {  	s0 =	stileid.u32;
	s1 =	srdreg.scid  }
0x2: {  	s4 =	rddreg [dreg:$0x0];
	s7 =	simm.s32 $0x1;
	s31 =	simm.s32 $0x2  }
0x3: {  	s14 =	simm.s32 $0x0;
	s2 =	sshll.u32 s0, $0x5;
	s1 =	sshll.u32 s1, $0x9  }
0x4: {  	s9 =	simm.s32 $0x4000;
	s15 =	simm.s32 $0x0;
	s1 =	sor.u32 s2, s1  }
0x5: {  	s16 =	simm.s32 $0x0;
	s10 =	simm.s32 $0x0;
	s2 =	sand.u32 $0x380, s1  }
0x6: {  	s13 =	simm.s32 $0x0;
	s3 =	sadd.s32 $0x450400, s4;
	s5 =	ssub.s32 $0x800, s2  }
0x7: {  	s4 =	sadd.s32 $0x850400, s4;
	s1 =	rddreg [dreg:$0x1];
	s6 =	sand.u32 $0x380, s5  }
.Ltmp0:
0x8: {  	_ =	strace $0x8000004D;
	p0 =	sne.s32 s6, $0x0;
	(pc) =	sbr.rel .LBB1_1-.Ltmp0, $4  }
0x9: {  	s11 =	smov.u32 s2;
	s8 =	sshrl.u32 s5, $0xA;
	s7 =	simm.s32 @!p0 $0x0  }
0xa: {  	s5 =	sand.u32 $0x3, s0;
	s6 =	simm.s32 $0x1;
	s7 =	sadd.s32 s7, s8  }
0xb: {  	s12 =	smov.u32 s5;
	[sflag:s6] =	ssyncpa.u1 $0x0;
	s7 =	sshll.u32 s7, $0x5  }
0xc: {  	p0 =	por $0x0, $0x0;
	[sflag:s31] =	ssyncpa.u1 $0x0;
	s8 =	sor.u32 $0x1, s7  }
.LBB1_4:
0xd: {  	s19 =	sshll.u32 s15, $0x3  }
0xe: {  	s20 =	sand.u32 $0x78, s15;
	s16 =	sshll.u32 s16, $0x13;
	s30 =	sand.u32 $0x3F00, s15  }
0xf: {  	s14 =	sshll.u32 s14, $0xE;
	s19 =	sand.u32 $0x400, s19;
	s16 =	sadd.s32 s4, s16  }
0x10: {  	[tilespmem:s18+$0x810 ss:$0x81] =	vst.msk $0xffff, v2;
	s31 =	sand.u32 $0x7, s15;
	s19 =	sor.u32 s20, s19;
	s16 =	sadd.s32 s30, s16  }
0x11: {  	[tilespmem:s18+$0x1020 ss:$0x81] =	vst.msk $0xffff, v0;
	s15 =	sshll.u32 s31, $0x12;
	s19 =	sshrl.u32 s19, $0x3;
	s14 =	sadd.s32 s14, s16  }
0x12: {  	[tilespmem:s18+$0x0 ss:$0x81] =	vst.msk $0xffff, v1;
	s15 =	sor.u32 $0x400, s15;
	s14 =	sadd.s32 s19, s14  }
0x13: {  	[hbm4b:s14+s15] =	stream.strided.scatter [tilespmem:s17], [sflag:$0x2], $0x2000, s9, s15, $0x20;
	[tilespmem:$0x8080] =	vst v63  }
.LBB1_5:
0x14: {  	s17 =	sadd.s32 $0x1, s10  }
0x15: {  	s14 =	sadd.s32 $0x400, s11;
	s18 =	smov.u32 s11;
	p2 =	sgt.s32 s17, $0x1F  }
0x16: {  	s18 =	smov.u32 @p2 s14  }
0x17: {  	s20 =	smov.u32 s12;
	s14 =	sadd.s32 $0x4, s12;
	p3 =	sgt.s32 s18, $0x7FF  }
0x18: {  	s20 =	smov.u32 @p3 s14  }
0x19: {  	s17 =	simm.s32 @p2 $0x0;
	p2 =	sgt.s32 s20, $0x3  }
0x1a: {  	p1 =	slt.u32 s13, $0x2;
	s20 =	smov.u32 @p2 s5;
	p2 =	sne.s32 s13, s8  }
.Ltmp1:
0x1b: {  	s19 =	simm.s32 @!p1 $0x2;
	(pc) =	sbr.rel @!p2 .LBB1_6-.Ltmp1, $4  }
0x1c: {  	s15 =	smov.u32 s11;
	s16 =	smov.u32 s12;
	_ =	swait.ge @!p1 [sflag:s19], $0x2000  }
0x1d: {  	p0 =	por !p0, !p0;
	[sflag:s19] =	ssyncset.done @!p1 $0x0;
	s18 =	smov.u32 @p3 s2  }
0x1e: {  	s14 =	smov.u32 s10;
	[sflag:s19] =	ssyncadd.s32 @!p1 $0xFFFFE000;
	s10 =	smov.u32 s17  }
0x1f: {  	s11 =	smov.u32 s18;
	s13 =	sadd.s32 $0x1, s13;
	s12 =	smov.u32 s20  }
.LBB1_1:
0x20: {  	p1 =	sge.u32 s13, s7;
	s31 =	sadd.s32 $0xFFFFFFFF, s13  }
0x21: {  	s17 =	sxor.u32 @!p1 $0xFFFFFFFF, s13;
	s18 =	sshll.u32 @!p1 s12, $0x14;
	s19 =	sshll.u32 @!p1 s11, $0x9  }
0x22: {  	s20 =	sshll.u32 @!p1 s10, $0x4;
	s17 =	sshll.u32 @!p1 s17, $0xD;
	s18 =	sadd.s32 @!p1 s3, s18  }
0x23: {  	s20 =	sand.u32 @!p1 $0x1F0, s20;
	s17 =	sand.u32 @!p1 $0x2000, s17;
	s18 =	sadd.s32 @!p1 s19, s18  }
0x24: {  	s19 =	simm.s32 @!p1 $0x40;
	s18 =	sadd.s32 @!p1 s20, s18;
	s20 =	simm.s32 @!p1 $0x1000  }
0x25: {  	[tilespmem:s17], [sflag:$0x1] =	stream.strided.gather @!p1 [hbm4b:s18+s19], $0x2000, s20, s19, $0x38;
	[tilespmem:$0x8080] =	vst v63  }
0x26: {  	p1 =	sge.u32 s31, s7  }
.Ltmp2:
0x27: {  	_ = 	snop;
	(pc) =	sbr.rel @p1 .LBB1_5-.Ltmp2, $1  }
0x28: {  	_ =	sdelay $0x3  }
0x29: {  	s17 =	simm.s32 $0x1  }
0x2a: {  	_ =	swait.ge [sflag:s6], $0x2000;
	s17 =	simm.s32 @!p0 $0x0  }
0x2b: {  	[sflag:s6] =	ssyncset.done $0x0;
	s18 =	sshll.u32 s17, $0xD  }
0x2c: {  	[sflag:s6] =	ssyncadd.s32 $0xFFFFE000;
	s21 =	sor.u32 $0x20, s18  }
0x2d: {  	s17 =	smul.u32 $0x8100, s17;
	v3 =	vld [tilespmem:s21+$0x10]  }
0x2e: {  	s30 =	sand.u32 $0x1, s13;
	v2 =	vld [tilespmem:s21+$0xFFFFFFF0]  }
0x2f: {  	s18 =	smul.u32 $0x8100, s30;
	s17 =	sshrl.u32 s17, $0x2;
	v0 =	vld [tilespmem:s21+$0x0]  }
0x30: {  	v1 =	vld [tilespmem:s21+$0xFFFFFFE0];
	s19 =	sor.u32 $0x4000, s17  }
0x31: {  	s31 =	sshrl.u32 s18, $0x2;
	s18 =	sadd.s32 $0x0, s19  }
0x32: {  	s20 =	simm.s32 $0x4;
	s21 =	sadd.s32 $0x40, s21;
	s17 =	sor.u32 $0x4000, s31;
	[tilespmem:s18+$0x1830 ss:$0x81] =	vst.msk $0xffff, v3  }
.LBB1_3:
0x33: {  	v3 =	vld [tilespmem:s21+$0x10];
	p1 =	sne.s32 s20, $0x1FC;
	[tilespmem:s18+$0x810 ss:$0x81] =	vst.msk $0xffff, v2;
	s22 =	smov.u32 s20;
	s20 =	sadd.s32 $0x4, s20  }
.Ltmp3:
0x34: {  	v2 =	vld [tilespmem:s21+$0xFFFFFFF0];
	[tilespmem:s18+$0x1020 ss:$0x81] =	vst.msk $0xffff, v0;
	(pc) =	sbr.rel @p1 .LBB1_3-.Ltmp3, $4  }
0x35: {  	v0 =	vld [tilespmem:s21+$0x0];
	[tilespmem:s18+$0x0 ss:$0x81] =	vst.msk $0xffff, v1  }
0x36: {  	s18 =	sshra.s32 s22, $0x2;
	v1 =	vld [tilespmem:s21+$0xFFFFFFE0]  }
0x37: {  	s18 =	sadd.s32 s18, s19  }
0x38: {  	s21 =	sadd.s32 $0x40, s21;
	[tilespmem:s18+$0x1830 ss:$0x81] =	vst.msk $0xffff, v3  }
.Ltmp4:
0x39: {  	_ = 	snop;
	(pc) =	sbr.rel .LBB1_4-.Ltmp4, $1  }
0x3a: {  	_ =	sdelay $0x3  }
.LBB1_6:
0x3b: {  	_ =	sfence.sel $0x180000  }
0x3c: {  	s2 =	simm.s32 $0x1;
	[bflag:$0x0] =	sbarrier.arrive $0xFFFF  }
0x3d: {  	s31 =	simm.s32 $0x2;
	[sflag:s2] =	ssyncpa.u1 $0x1  }
0x3e: {  	[sflag:s31] =	ssyncpa.u1 $0x1  }
0x3f: {  	p0 =	sne.s32 s0, $0x0;
	_ =	strace $0x9000004D  }
0x40: {  	s0 =	sadd.s32 @!p0 $0x100000, s1;
	[bflag:$0x2] =	sbarrier.arrive $0xFFFF  }
0x41: {  	[sflag:s0] =	ssyncadd.tile.s32 @!p0 $0x1;
	_ =	shalt  }
.Lfunc_end1:
_tile_overlayer_lowered:
.L_overlay_start_2:
0x42: {  	(tag) =	ssettag $0x2  }
0x43: {  	s0 =	rddreg [dreg:$0x0];
	s2 =	stileid.u32  }
0x44: {  	s1 =	rddreg [dreg:$0x1];
	p0 =	sne.s32 s2, $0x0  }
0x45: {  	s3 =	rddreg [dreg:$0x2];
	[bflag:$0x3] =	sbarrier.arrive $0xFFFF;
	s2 =	simm.s32 @!p0 $0x1C01  }
0x46: {  	[timem:s3], [sflag:s2] =	dma.local @!p0 [hbm:s0], s1  }
0x47: {  	s0 =	simm.s32 @!p0 $0x1  }
0x48: {  	_ =	swait.ge @!p0 [sflag:s0], s1  }
0x49: {  	s1 =	ssub.s32 @!p0 $0x0, s1;
	[sflag:s0] =	ssyncset.done @!p0 $0x0  }
0x4a: {  	[sflag:s0] =	ssyncadd.s32 @!p0 s1  }
0x4b: {  	[bflag:$0x3] =	sbarrier.arrive $0xFFFF  }
0x4c: {  	_ =	shalt  }

// kernel: sparse-core-data-format-call.3.cloned.1.call-start
scs
called_computation.3_lowered:
.L_overlay_start_0:
0x0: {  	s1 =	sld [smem:$0x3FD9]  }
0x1: {  	s2 =	sld [smem:$0x3FFE];
	_ =	sdelay $0x1  }
0x2: {  	s3 =	srdreg.scid  }
0x3: {  	s0 =	sand.u32 $0x1, s3  }
0x4: {  	s17 =	sshll.u32 s0, $0xA;
	s1 =	sadd.s32 s2, s1  }
0x5: {  	s1 =	sadd.s32 s1, s17  }
0x6: {  	[smem:$0x3FB1] =	sst s1  }
0x7: {  	_ = 	snop  }
0x8: {  	(tm) =	ssettm $0x1  }
0x9: {  	s18 =	sld [smem:$0x3FFB];
	_ =	sdelay $0x3  }
0xa: {  	_ =	strace s18  }
0xb: {  	s1 =	sld [smem:$0x3FFC];
	_ =	sdelay $0x3  }
0xc: {  	_ =	strace s1  }
0xd: {  	s1 =	sld [smem:$0x3FFD];
	_ =	sdelay $0x3  }
0xe: {  	_ =	strace s1  }
0xf: {  	_ =	strace $0x8FFFFFFF  }
0x10: {  	s19 =	sld [smem:$0x3FDB];
	_ =	sdelay $0x1  }
0x11: {  	s20 =	simm.s32 $_scs_section_size  }
0x12: {  	s4 =	simm.s32 $_size__tile_overlayer_lowered;
	s5 =	simm.s32 $_tile_overlayer_lowered  }
0x13: {  	s23 =	simm.s32 $0x1BFF;
	s22 =	sshll.u32 s5, $0x1;
	s1 =	sadd.s32 s20, s19  }
0x14: {  	s6 =	simm.s32 $0x0;
	s21 =	sshll.u32 s4, $0x1;
	s4 =	sadd.s32 s22, s1  }
0x15: {  	[timem:s6], [sflag:s23] =	dma.local [hbm:s4], s21  }
0x16: {  	_ =	swait.ge [sflag:s23], s21  }
0x17: {  	s2 =	ssub.s32 $0x0, s21;
	[sflag:s23] =	ssyncset.done $0x0  }
0x18: {  	[sflag:s23] =	ssyncadd.s32 s2;
	_ =	sdelay $0x1  }
0x19: {  	s24 =	simm.s32 $0x1B8B  }
0x1a: {  	_ =	swait.ge [sflag:s24], $0x1  }
0x1b: {  	[sflag:s24] =	ssyncset.done $0x0  }
0x1c: {  	s26 =	simm.s32 $0x1B8E;
	s25 =	sld [smem:$0x3FFE];
	[sflag:s24] =	ssyncadd.s32 $0xFFFFFFFF  }
0x1d: {  	s27 =	simm.s32 $execute0_lowered;
	[smem:$0x3FD2] =	sst s26  }
0x1e: {  	s4 =	sshll.u32 s27, $0x1;
	_ =	strace $0x80000049;
	[dreg:$0x1] =	wrdreg $0xFFFFFFFF  }
0x1f: {  	s28 =	simm.s32 $_size_execute0_lowered;
	s1 =	sadd.s32 s1, s4;
	[dreg:$0x0] =	wrdreg $0x0  }
0x20: {  	s4 =	sshll.u32 s28, $0x1;
	[dreg:$0x2] =	wrdreg s1  }
0x21: {  	[dreg:$0x3] =	wrdreg s4  }
0x22: {  	[dreg:$0x4] =	wrdreg $0xC0  }
0x23: {  	_ =	task [dreg:s6], $0x5FFFF  }
0x24: {  	[dreg:$0x1] =	wrdreg $0xFFFFFFFF  }
0x25: {  	[dreg:$0x0] =	wrdreg $0x60  }
0x26: {  	[dreg:$0x2] =	wrdreg s25  }
0x27: {  	[dreg:$0x3] =	wrdreg $0x9  }
0x28: {  	_ =	task.clear_ibuf [dreg:s6], $0x4FFFF;
	_ =	strace $0x90000049  }
0x29: {  	s29 =	simm.s32 $0x9;
	_ =	strace $0x8000004B  }
0x2a: {  	_ =	swait.ge [sflag:s29], $0x1  }
0x2b: {  	[sflag:s29] =	ssyncadd.s32 $0xFFFFFFFF  }
0x2c: {  	_ =	strace $0x9000004B  }
0x2d: {  	_ =	sfence  }
0x2e: {  	s30 =	sld [smem:$0x0];
	_ =	sdelay $0x2  }
0x2f: {  	s31 =	sshll.u32 s3, $0xD;
	s3 =	sshrl.u32 s3, $0x2  }
0x30: {  	s2 =	sand.u32 $0x4000, s31;
	s1 =	sadd.s32 s3, s30  }
0x31: {  	s0 =	sor.u32 s2, s0;
	s1 =	sshll.u32 s1, $0x11  }
0x32: {  	s0 =	sor.u32 s1, s0  }
0x33: {  	s0 =	sadd.s32 $0x8F2B, s0  }
0x34: {  	[sflag:s0] =	ssyncadd.remote.s32 $0x1  }
0x35: {  	_ =	sfence.sel $0xFFFF  }
0x36: {  	[dreg:$0x0] =	wrdreg $0xFFFFFFFF;
	(pc) =	sbr.abs _section_cstart, $3  }
0x37: {  	[dreg:$0x1] =	wrdreg $0xFFFFFFFF  }
0x38: {  	_ =	task.clear_ibuf [dreg:s6], $0x2FFFF;
	_ =	strace $0x9FFFFFFF  }
0x39: {  	(tm) =	ssettm $0x7FFFFFFF  }
tec
execute0_lowered:
.L_overlay_start_1:
0x0: {  	(tag) =	ssettag $0x1  }
0x1: {  	s0 =	stileid.u32;
	s1 =	srdreg.scid  }
0x2: {  	s4 =	rddreg [dreg:$0x0];
	s7 =	simm.s32 $0x1;
	s31 =	simm.s32 $0x2  }
0x3: {  	s16 =	simm.s32 $0x0;
	s2 =	sshll.u32 s0, $0x5;
	s1 =	sshll.u32 s1, $0x9  }
0x4: {  	s9 =	simm.s32 $0x4000;
	s14 =	simm.s32 $0x0;
	s1 =	sor.u32 s2, s1  }
0x5: {  	s15 =	simm.s32 $0x0;
	s10 =	simm.s32 $0x0;
	s2 =	sand.u32 $0x380, s1  }
0x6: {  	s13 =	simm.s32 $0x0;
	s3 =	sadd.s32 $0x250400, s4;
	s5 =	ssub.s32 $0x800, s2  }
0x7: {  	s4 =	sadd.s32 $0x450400, s4;
	s1 =	rddreg [dreg:$0x1];
	s6 =	sand.u32 $0x380, s5  }
.Ltmp0:
0x8: {  	_ =	strace $0x8000004A;
	p0 =	sne.s32 s6, $0x0;
	(pc) =	sbr.rel .LBB1_1-.Ltmp0, $4  }
0x9: {  	s11 =	smov.u32 s2;
	s8 =	sshrl.u32 s5, $0xA;
	s7 =	simm.s32 @!p0 $0x0  }
0xa: {  	s5 =	sand.u32 $0x3, s0;
	s6 =	simm.s32 $0x1;
	s7 =	sadd.s32 s7, s8  }
0xb: {  	s12 =	smov.u32 s5;
	[sflag:s6] =	ssyncpa.u1 $0x0;
	s7 =	sshll.u32 s7, $0x4  }
0xc: {  	p0 =	por $0x0, $0x0;
	[sflag:s31] =	ssyncpa.u1 $0x0;
	s8 =	sor.u32 $0x1, s7  }
.LBB1_4:
0xd: {  	v5 =	vld [tilespmem:s19+$0xFFFFFFD0]  }
0xe: {  	[tilespmem:s20+$0x2040 ss:$0x81] =	vst.msk $0xffff, v1;
	v58 =	vld [tilespmem:s19+$0xFFFFFFE0]  }
0xf: {  	[tilespmem:s20+$0x2850 ss:$0x81] =	vst.msk $0xffff, v2;
	v59 =	vld [tilespmem:s19+$0xFFFFFFF0]  }
0x10: {  	s21 =	sshra.s32 s21, $0x2;
	[tilespmem:s20+$0x3060 ss:$0x81] =	vst.msk $0xffff, v3;
	v60 =	vld [tilespmem:s19+$0x0]  }
0x11: {  	[tilespmem:s20+$0x0 ss:$0x81] =	vst.msk $0xffff, v0;
	v61 =	vld [tilespmem:s19+$0x10];
	s18 =	sadd.s32 s21, s18  }
0x12: {  	s26 =	sshll.u32 s16, $0xB;
	v62 =	vld [tilespmem:s19+$0x20];
	[tilespmem:s18+$0x3870 ss:$0x81] =	vst.msk $0xffff, v4  }
0x13: {  	s27 =	sand.u32 $0x78, s14;
	s22 =	sshll.u32 s14, $0x3;
	v63 =	vld [tilespmem:s19+$0xFFFFFFC0];
	s29 =	sshll.u32 s16, $0x7;
	[tilespmem:s18+$0x810 ss:$0x81] =	vst.msk $0xffff, v5  }
0x14: {  	s15 =	sshll.u32 s15, $0x13;
	s20 =	sand.u32 $0x3FC000, s26;
	s28 =	sand.u32 $0x3FFC00, s22;
	[tilespmem:s18+$0x1020 ss:$0x81] =	vst.msk $0xffff, v58  }
0x15: {  	s31 =	sand.u32 $0x7, s14;
	s22 =	sand.u32 $0x400, s22;
	s19 =	sadd.s32 s28, s20;
	[tilespmem:s18+$0x1830 ss:$0x81] =	vst.msk $0xffff, v59  }
0x16: {  	s16 =	sand.u32 $0x380, s29;
	s30 =	sor.u32 s27, s22;
	s19 =	sshrl.u32 s19, $0x3;
	[tilespmem:s18+$0x2040 ss:$0x81] =	vst.msk $0xffff, v60  }
0x17: {  	s15 =	sadd.s32 s4, s15;
	s16 =	sor.u32 s16, s30;
	s19 =	sand.u32 $0x7FF00, s19;
	[tilespmem:s18+$0x2850 ss:$0x81] =	vst.msk $0xffff, v61  }
0x18: {  	s14 =	sshll.u32 s31, $0x12;
	s16 =	sshrl.u32 s16, $0x3;
	[tilespmem:s18+$0x3060 ss:$0x81] =	vst.msk $0xffff, v62;
	s15 =	sadd.s32 s19, s15  }
0x19: {  	s14 =	sor.u32 $0x400, s14;
	[tilespmem:s18+$0x0 ss:$0x81] =	vst.msk $0xffff, v63;
	s15 =	sadd.s32 s16, s15  }
0x1a: {  	[hbm4b:s15+s14] =	stream.strided.scatter [tilespmem:s17], [sflag:$0x2], $0x4000, s9, s14, $0x20;
	[tilespmem:$0x10100] =	vst v63  }
.LBB1_5:
0x1b: {  	s17 =	sadd.s32 $0x80, s10  }
0x1c: {  	s14 =	sadd.s32 $0x400, s11;
	s18 =	smov.u32 s11;
	p2 =	sgt.s32 s17, $0x7FF  }
0x1d: {  	s18 =	smov.u32 @p2 s14  }
0x1e: {  	s20 =	smov.u32 s12;
	s14 =	sadd.s32 $0x4, s12;
	p3 =	sgt.s32 s18, $0x7FF  }
0x1f: {  	s20 =	smov.u32 @p3 s14  }
0x20: {  	s17 =	simm.s32 @p2 $0x0;
	p2 =	sgt.s32 s20, $0x3  }
0x21: {  	p1 =	slt.u32 s13, $0x2;
	s20 =	smov.u32 @p2 s5;
	p2 =	sne.s32 s13, s8  }
.Ltmp1:
0x22: {  	s19 =	simm.s32 @!p1 $0x2;
	(pc) =	sbr.rel @!p2 .LBB1_6-.Ltmp1, $4  }
0x23: {  	s16 =	smov.u32 s10;
	s15 =	smov.u32 s12;
	_ =	swait.ge @!p1 [sflag:s19], $0x4000  }
0x24: {  	p0 =	por !p0, !p0;
	[sflag:s19] =	ssyncset.done @!p1 $0x0;
	s10 =	smov.u32 s17  }
0x25: {  	s18 =	smov.u32 @p3 s2;
	s14 =	smov.u32 s11;
	[sflag:s19] =	ssyncadd.s32 @!p1 $0xFFFFC000  }
0x26: {  	s11 =	smov.u32 s18;
	s13 =	sadd.s32 $0x1, s13;
	s12 =	smov.u32 s20  }
.LBB1_1:
0x27: {  	p1 =	sge.u32 s13, s7;
	s31 =	sadd.s32 $0xFFFFFFFF, s13  }
0x28: {  	s17 =	sxor.u32 @!p1 $0xFFFFFFFF, s13;
	s18 =	sand.u32 @!p1 $0x78, s10;
	s19 =	sshll.u32 @!p1 s11, $0xB  }
0x29: {  	s20 =	sshll.u32 @!p1 s11, $0x7;
	s21 =	sshll.u32 @!p1 s10, $0x3;
	s17 =	sshll.u32 @!p1 s17, $0xE  }
0x2a: {  	s19 =	sand.u32 @!p1 $0x3FC000, s19;
	s20 =	sand.u32 @!p1 $0x380, s20;
	s17 =	sand.u32 @!p1 $0x4000, s17  }
0x2b: {  	s19 =	sadd.s32 @!p1 s19, s21;
	s21 =	sand.u32 @!p1 $0x400, s21;
	s18 =	sor.u32 @!p1 s20, s18  }
0x2c: {  	s20 =	sshll.u32 @!p1 s12, $0x13;
	s18 =	sor.u32 @!p1 s21, s18;
	s19 =	sshrl.u32 @!p1 s19, $0x3  }
0x2d: {  	s20 =	sadd.s32 @!p1 s3, s20;
	s21 =	sand.u32 @!p1 $0x7, s10;
	s19 =	sand.u32 @!p1 $0x7FF00, s19  }
0x2e: {  	s18 =	sshrl.u32 @!p1 s18, $0x3;
	s19 =	sadd.s32 @!p1 s19, s20;
	s20 =	sshll.u32 @!p1 s21, $0x12  }
0x2f: {  	s18 =	sadd.s32 @!p1 s18, s19;
	s19 =	sor.u32 @!p1 $0x400, s20;
	s20 =	simm.s32 @!p1 $0x4000  }
0x30: {  	[tilespmem:s17], [sflag:$0x1] =	stream.strided.gather @!p1 [hbm4b:s18+s19], $0x4000, s20, s19, $0x38;
	[tilespmem:$0x10100] =	vst v63  }
0x31: {  	p1 =	sge.u32 s31, s7  }
.Ltmp2:
0x32: {  	_ = 	snop;
	(pc) =	sbr.rel @p1 .LBB1_5-.Ltmp2, $1  }
0x33: {  	_ =	sdelay $0x3  }
0x34: {  	s17 =	simm.s32 $0x1  }
0x35: {  	_ =	swait.ge [sflag:s6], $0x4000;
	s17 =	simm.s32 @!p0 $0x0  }
0x36: {  	[sflag:s6] =	ssyncset.done $0x0;
	s18 =	sshll.u32 s17, $0xE  }
0x37: {  	[sflag:s6] =	ssyncadd.s32 $0xFFFFC000;
	s19 =	sor.u32 $0x40, s18  }
0x38: {  	s17 =	smul.u32 $0x10200, s17;
	v0 =	vld [tilespmem:s19+$0x30]  }
0x39: {  	v3 =	vld [tilespmem:s19+$0xFFFFFFD0]  }
0x3a: {  	s17 =	sshrl.u32 s17, $0x2;
	v4 =	vld [tilespmem:s19+$0xFFFFFFE0]  }
0x3b: {  	v5 =	vld [tilespmem:s19+$0xFFFFFFF0];
	s18 =	sor.u32 $0x8000, s17  }
0x3c: {  	s31 =	sand.u32 $0x1, s13;
	v1 =	vld [tilespmem:s19+$0x0];
	s20 =	sadd.s32 $0x0, s18  }
0x3d: {  	v2 =	vld [tilespmem:s19+$0x10];
	s17 =	smul.u32 $0x10200, s31;
	[tilespmem:s20+$0x3870 ss:$0x81] =	vst.msk $0xffff, v0  }
0x3e: {  	[tilespmem:s20+$0x810 ss:$0x81] =	vst.msk $0xffff, v3;
	v3 =	vld [tilespmem:s19+$0x20]  }
0x3f: {  	s17 =	sshrl.u32 s17, $0x2;
	v0 =	vld [tilespmem:s19+$0xFFFFFFC0];
	[tilespmem:s20+$0x1020 ss:$0x81] =	vst.msk $0xffff, v4;
	s19 =	sadd.s32 $0x80, s19  }
0x40: {  	s21 =	simm.s32 $0x4;
	s22 =	simm.s32 $0x8;
	s17 =	sor.u32 $0x8000, s17;
	[tilespmem:s20+$0x1830 ss:$0x81] =	vst.msk $0xffff, v5;
	v4 =	vld [tilespmem:s19+$0x30]  }
.LBB1_3:
0x41: {  	p1 =	sne.s32 s22, $0x1FC;
	v5 =	vld [tilespmem:s19+$0xFFFFFFD0];
	[tilespmem:s20+$0x2040 ss:$0x81] =	vst.msk $0xffff, v1  }
0x42: {  	v6 =	vld [tilespmem:s19+$0xFFFFFFE0];
	[tilespmem:s20+$0x2850 ss:$0x81] =	vst.msk $0xffff, v2  }
0x43: {  	s23 =	sshra.s32 s21, $0x2;
	s21 =	smov.u32 s22;
	v7 =	vld [tilespmem:s19+$0xFFFFFFF0];
	[tilespmem:s20+$0x3060 ss:$0x81] =	vst.msk $0xffff, v3  }
.Ltmp3:
0x44: {  	v1 =	vld [tilespmem:s19+$0x0];
	[tilespmem:s20+$0x0 ss:$0x81] =	vst.msk $0xffff, v0;
	s20 =	sadd.s32 s23, s18;
	(pc) =	sbr.rel @p1 .LBB1_3-.Ltmp3, $4  }
0x45: {  	v2 =	vld [tilespmem:s19+$0x10];
	[tilespmem:s20+$0x3870 ss:$0x81] =	vst.msk $0xffff, v4  }
0x46: {  	[tilespmem:s20+$0x810 ss:$0x81] =	vst.msk $0xffff, v5;
	v3 =	vld [tilespmem:s19+$0x20]  }
0x47: {  	v0 =	vld [tilespmem:s19+$0xFFFFFFC0];
	[tilespmem:s20+$0x1020 ss:$0x81] =	vst.msk $0xffff, v6;
	s19 =	sadd.s32 $0x80, s19  }
0x48: {  	s22 =	sadd.s32 $0x4, s22;
	v4 =	vld [tilespmem:s19+$0x30];
	[tilespmem:s20+$0x1830 ss:$0x81] =	vst.msk $0xffff, v7  }
.Ltmp4:
0x49: {  	_ = 	snop;
	(pc) =	sbr.rel .LBB1_4-.Ltmp4, $1  }
0x4a: {  	_ =	sdelay $0x3  }
.LBB1_6:
0x4b: {  	_ =	sfence.sel $0x180000  }
0x4c: {  	s2 =	simm.s32 $0x1;
	[bflag:$0x0] =	sbarrier.arrive $0xFFFF  }
0x4d: {  	s31 =	simm.s32 $0x2;
	[sflag:s2] =	ssyncpa.u1 $0x1  }
0x4e: {  	[sflag:s31] =	ssyncpa.u1 $0x1  }
0x4f: {  	p0 =	sne.s32 s0, $0x0;
	_ =	strace $0x9000004A  }
0x50: {  	s0 =	sadd.s32 @!p0 $0x100000, s1;
	[bflag:$0x2] =	sbarrier.arrive $0xFFFF  }
0x51: {  	[sflag:s0] =	ssyncadd.tile.s32 @!p0 $0x1;
	_ =	shalt  }
.Lfunc_end1:
_tile_overlayer_lowered:
.L_overlay_start_2:
0x52: {  	(tag) =	ssettag $0x2  }
0x53: {  	s0 =	rddreg [dreg:$0x0];
	s2 =	stileid.u32  }
0x54: {  	s1 =	rddreg [dreg:$0x1];
	p0 =	sne.s32 s2, $0x0  }
0x55: {  	s3 =	rddreg [dreg:$0x2];
	[bflag:$0x3] =	sbarrier.arrive $0xFFFF;
	s2 =	simm.s32 @!p0 $0x1C01  }
0x56: {  	[timem:s3], [sflag:s2] =	dma.local @!p0 [hbm:s0], s1  }
0x57: {  	s0 =	simm.s32 @!p0 $0x1  }
0x58: {  	_ =	swait.ge @!p0 [sflag:s0], s1  }
0x59: {  	s1 =	ssub.s32 @!p0 $0x0, s1;
	[sflag:s0] =	ssyncset.done @!p0 $0x0  }
0x5a: {  	[sflag:s0] =	ssyncadd.s32 @!p0 s1  }
0x5b: {  	[bflag:$0x3] =	sbarrier.arrive $0xFFFF  }
0x5c: {  	_ =	shalt  }

// kernel: sparse-core-data-format-call.4.cloned.1.call-start
scs
called_computation.4_lowered:
.L_overlay_start_0:
0x0: {  	s1 =	sld [smem:$0x3FD9]  }
0x1: {  	s2 =	sld [smem:$0x3FFE];
	_ =	sdelay $0x1  }
0x2: {  	s3 =	srdreg.scid  }
0x3: {  	s0 =	sand.u32 $0x1, s3  }
0x4: {  	s17 =	sshll.u32 s0, $0xA;
	s1 =	sadd.s32 s2, s1  }
0x5: {  	s1 =	sadd.s32 s1, s17  }
0x6: {  	[smem:$0x3FB1] =	sst s1  }
0x7: {  	_ = 	snop  }
0x8: {  	(tm) =	ssettm $0x1  }
0x9: {  	s18 =	sld [smem:$0x3FFB];
	_ =	sdelay $0x3  }
0xa: {  	_ =	strace s18  }
0xb: {  	s1 =	sld [smem:$0x3FFC];
	_ =	sdelay $0x3  }
0xc: {  	_ =	strace s1  }
0xd: {  	s1 =	sld [smem:$0x3FFD];
	_ =	sdelay $0x3  }
0xe: {  	_ =	strace s1  }
0xf: {  	_ =	strace $0x8FFFFFFF  }
0x10: {  	s19 =	sld [smem:$0x3FDB];
	_ =	sdelay $0x1  }
0x11: {  	s20 =	simm.s32 $_scs_section_size  }
0x12: {  	s4 =	simm.s32 $_size__tile_overlayer_lowered;
	s5 =	simm.s32 $_tile_overlayer_lowered  }
0x13: {  	s23 =	simm.s32 $0x1BFF;
	s22 =	sshll.u32 s5, $0x1;
	s1 =	sadd.s32 s20, s19  }
0x14: {  	s6 =	simm.s32 $0x0;
	s21 =	sshll.u32 s4, $0x1;
	s4 =	sadd.s32 s22, s1  }
0x15: {  	[timem:s6], [sflag:s23] =	dma.local [hbm:s4], s21  }
0x16: {  	_ =	swait.ge [sflag:s23], s21  }
0x17: {  	s2 =	ssub.s32 $0x0, s21;
	[sflag:s23] =	ssyncset.done $0x0  }
0x18: {  	[sflag:s23] =	ssyncadd.s32 s2;
	_ =	sdelay $0x1  }
0x19: {  	s24 =	simm.s32 $0x1B8B  }
0x1a: {  	_ =	swait.ge [sflag:s24], $0x1  }
0x1b: {  	[sflag:s24] =	ssyncset.done $0x0  }
0x1c: {  	s26 =	simm.s32 $0x1B8E;
	s25 =	sld [smem:$0x3FFE];
	[sflag:s24] =	ssyncadd.s32 $0xFFFFFFFF  }
0x1d: {  	s27 =	simm.s32 $execute0_lowered;
	[smem:$0x3FD2] =	sst s26  }
0x1e: {  	s4 =	sshll.u32 s27, $0x1;
	_ =	strace $0x80000046;
	[dreg:$0x1] =	wrdreg $0xFFFFFFFF  }
0x1f: {  	s28 =	simm.s32 $_size_execute0_lowered;
	s1 =	sadd.s32 s1, s4;
	[dreg:$0x0] =	wrdreg $0x0  }
0x20: {  	s4 =	sshll.u32 s28, $0x1;
	[dreg:$0x2] =	wrdreg s1  }
0x21: {  	[dreg:$0x3] =	wrdreg s4  }
0x22: {  	[dreg:$0x4] =	wrdreg $0xC0  }
0x23: {  	_ =	task [dreg:s6], $0x5FFFF  }
0x24: {  	[dreg:$0x1] =	wrdreg $0xFFFFFFFF  }
0x25: {  	[dreg:$0x0] =	wrdreg $0x60  }
0x26: {  	[dreg:$0x2] =	wrdreg s25  }
0x27: {  	[dreg:$0x3] =	wrdreg $0x9  }
0x28: {  	_ =	task.clear_ibuf [dreg:s6], $0x4FFFF;
	_ =	strace $0x90000046  }
0x29: {  	s29 =	simm.s32 $0x9;
	_ =	strace $0x80000048  }
0x2a: {  	_ =	swait.ge [sflag:s29], $0x1  }
0x2b: {  	[sflag:s29] =	ssyncadd.s32 $0xFFFFFFFF  }
0x2c: {  	_ =	strace $0x90000048  }
0x2d: {  	_ =	sfence  }
0x2e: {  	s30 =	sld [smem:$0x0];
	_ =	sdelay $0x2  }
0x2f: {  	s31 =	sshll.u32 s3, $0xD;
	s3 =	sshrl.u32 s3, $0x2  }
0x30: {  	s2 =	sand.u32 $0x4000, s31;
	s1 =	sadd.s32 s3, s30  }
0x31: {  	s0 =	sor.u32 s2, s0;
	s1 =	sshll.u32 s1, $0x11  }
0x32: {  	s0 =	sor.u32 s1, s0  }
0x33: {  	s0 =	sadd.s32 $0x8F2B, s0  }
0x34: {  	[sflag:s0] =	ssyncadd.remote.s32 $0x1  }
0x35: {  	_ =	sfence.sel $0xFFFF  }
0x36: {  	[dreg:$0x0] =	wrdreg $0xFFFFFFFF;
	(pc) =	sbr.abs _section_cstart, $3  }
0x37: {  	[dreg:$0x1] =	wrdreg $0xFFFFFFFF  }
0x38: {  	_ =	task.clear_ibuf [dreg:s6], $0x2FFFF;
	_ =	strace $0x9FFFFFFF  }
0x39: {  	(tm) =	ssettm $0x7FFFFFFF  }
tec
execute0_lowered:
.L_overlay_start_1:
0x0: {  	(tag) =	ssettag $0x1  }
0x1: {  	s0 =	stileid.u32;
	s1 =	srdreg.scid  }
0x2: {  	s4 =	rddreg [dreg:$0x0];
	s7 =	simm.s32 $0x1;
	s31 =	simm.s32 $0x2  }
0x3: {  	s16 =	simm.s32 $0x0;
	s2 =	sshll.u32 s0, $0x5;
	s1 =	sshll.u32 s1, $0x9  }
0x4: {  	s9 =	simm.s32 $0x4000;
	s14 =	simm.s32 $0x0;
	s1 =	sor.u32 s2, s1  }
0x5: {  	s15 =	simm.s32 $0x0;
	s10 =	simm.s32 $0x0;
	s2 =	sand.u32 $0x380, s1  }
0x6: {  	s13 =	simm.s32 $0x0;
	s3 =	sadd.s32 $0x20400, s4;
	s5 =	ssub.s32 $0x800, s2  }
0x7: {  	s4 =	sadd.s32 $0x220400, s4;
	s1 =	rddreg [dreg:$0x1];
	s6 =	sand.u32 $0x380, s5  }
.Ltmp0:
0x8: {  	_ =	strace $0x80000047;
	p0 =	sne.s32 s6, $0x0;
	(pc) =	sbr.rel .LBB1_1-.Ltmp0, $4  }
0x9: {  	s11 =	smov.u32 s2;
	s8 =	sshrl.u32 s5, $0xA;
	s7 =	simm.s32 @!p0 $0x0  }
0xa: {  	s5 =	sand.u32 $0x3, s0;
	s6 =	simm.s32 $0x1;
	s7 =	sadd.s32 s7, s8  }
0xb: {  	s12 =	smov.u32 s5;
	[sflag:s6] =	ssyncpa.u1 $0x0;
	s7 =	sshll.u32 s7, $0x4  }
0xc: {  	p0 =	por $0x0, $0x0;
	[sflag:s31] =	ssyncpa.u1 $0x0;
	s8 =	sor.u32 $0x1, s7  }
.LBB1_4:
0xd: {  	v5 =	vld [tilespmem:s19+$0xFFFFFFD0]  }
0xe: {  	[tilespmem:s20+$0x2040 ss:$0x81] =	vst.msk $0xffff, v1;
	v58 =	vld [tilespmem:s19+$0xFFFFFFE0]  }
0xf: {  	[tilespmem:s20+$0x2850 ss:$0x81] =	vst.msk $0xffff, v2;
	v59 =	vld [tilespmem:s19+$0xFFFFFFF0]  }
0x10: {  	s21 =	sshra.s32 s21, $0x2;
	[tilespmem:s20+$0x3060 ss:$0x81] =	vst.msk $0xffff, v3;
	v60 =	vld [tilespmem:s19+$0x0]  }
0x11: {  	[tilespmem:s20+$0x0 ss:$0x81] =	vst.msk $0xffff, v0;
	v61 =	vld [tilespmem:s19+$0x10];
	s18 =	sadd.s32 s21, s18  }
0x12: {  	s26 =	sshll.u32 s16, $0xB;
	v62 =	vld [tilespmem:s19+$0x20];
	[tilespmem:s18+$0x3870 ss:$0x81] =	vst.msk $0xffff, v4  }
0x13: {  	s27 =	sand.u32 $0x78, s14;
	s22 =	sshll.u32 s14, $0x3;
	v63 =	vld [tilespmem:s19+$0xFFFFFFC0];
	s29 =	sshll.u32 s16, $0x7;
	[tilespmem:s18+$0x810 ss:$0x81] =	vst.msk $0xffff, v5  }
0x14: {  	s15 =	sshll.u32 s15, $0x13;
	s20 =	sand.u32 $0x3FC000, s26;
	s28 =	sand.u32 $0x3FFC00, s22;
	[tilespmem:s18+$0x1020 ss:$0x81] =	vst.msk $0xffff, v58  }
0x15: {  	s31 =	sand.u32 $0x7, s14;
	s22 =	sand.u32 $0x400, s22;
	s19 =	sadd.s32 s28, s20;
	[tilespmem:s18+$0x1830 ss:$0x81] =	vst.msk $0xffff, v59  }
0x16: {  	s16 =	sand.u32 $0x380, s29;
	s30 =	sor.u32 s27, s22;
	s19 =	sshrl.u32 s19, $0x3;
	[tilespmem:s18+$0x2040 ss:$0x81] =	vst.msk $0xffff, v60  }
0x17: {  	s15 =	sadd.s32 s4, s15;
	s16 =	sor.u32 s16, s30;
	s19 =	sand.u32 $0x7FF00, s19;
	[tilespmem:s18+$0x2850 ss:$0x81] =	vst.msk $0xffff, v61  }
0x18: {  	s14 =	sshll.u32 s31, $0x12;
	s16 =	sshrl.u32 s16, $0x3;
	[tilespmem:s18+$0x3060 ss:$0x81] =	vst.msk $0xffff, v62;
	s15 =	sadd.s32 s19, s15  }
0x19: {  	s14 =	sor.u32 $0x400, s14;
	[tilespmem:s18+$0x0 ss:$0x81] =	vst.msk $0xffff, v63;
	s15 =	sadd.s32 s16, s15  }
0x1a: {  	[hbm4b:s15+s14] =	stream.strided.scatter [tilespmem:s17], [sflag:$0x2], $0x4000, s9, s14, $0x20;
	[tilespmem:$0x10100] =	vst v63  }
.LBB1_5:
0x1b: {  	s17 =	sadd.s32 $0x80, s10  }
0x1c: {  	s14 =	sadd.s32 $0x400, s11;
	s18 =	smov.u32 s11;
	p2 =	sgt.s32 s17, $0x7FF  }
0x1d: {  	s18 =	smov.u32 @p2 s14  }
0x1e: {  	s20 =	smov.u32 s12;
	s14 =	sadd.s32 $0x4, s12;
	p3 =	sgt.s32 s18, $0x7FF  }
0x1f: {  	s20 =	smov.u32 @p3 s14  }
0x20: {  	s17 =	simm.s32 @p2 $0x0;
	p2 =	sgt.s32 s20, $0x3  }
0x21: {  	p1 =	slt.u32 s13, $0x2;
	s20 =	smov.u32 @p2 s5;
	p2 =	sne.s32 s13, s8  }
.Ltmp1:
0x22: {  	s19 =	simm.s32 @!p1 $0x2;
	(pc) =	sbr.rel @!p2 .LBB1_6-.Ltmp1, $4  }
0x23: {  	s16 =	smov.u32 s10;
	s15 =	smov.u32 s12;
	_ =	swait.ge @!p1 [sflag:s19], $0x4000  }
0x24: {  	p0 =	por !p0, !p0;
	[sflag:s19] =	ssyncset.done @!p1 $0x0;
	s10 =	smov.u32 s17  }
0x25: {  	s18 =	smov.u32 @p3 s2;
	s14 =	smov.u32 s11;
	[sflag:s19] =	ssyncadd.s32 @!p1 $0xFFFFC000  }
0x26: {  	s11 =	smov.u32 s18;
	s13 =	sadd.s32 $0x1, s13;
	s12 =	smov.u32 s20  }
.LBB1_1:
0x27: {  	p1 =	sge.u32 s13, s7;
	s31 =	sadd.s32 $0xFFFFFFFF, s13  }
0x28: {  	s17 =	sxor.u32 @!p1 $0xFFFFFFFF, s13;
	s18 =	sand.u32 @!p1 $0x78, s10;
	s19 =	sshll.u32 @!p1 s11, $0xB  }
0x29: {  	s20 =	sshll.u32 @!p1 s11, $0x7;
	s21 =	sshll.u32 @!p1 s10, $0x3;
	s17 =	sshll.u32 @!p1 s17, $0xE  }
0x2a: {  	s19 =	sand.u32 @!p1 $0x3FC000, s19;
	s20 =	sand.u32 @!p1 $0x380, s20;
	s17 =	sand.u32 @!p1 $0x4000, s17  }
0x2b: {  	s19 =	sadd.s32 @!p1 s19, s21;
	s21 =	sand.u32 @!p1 $0x400, s21;
	s18 =	sor.u32 @!p1 s20, s18  }
0x2c: {  	s20 =	sshll.u32 @!p1 s12, $0x13;
	s18 =	sor.u32 @!p1 s21, s18;
	s19 =	sshrl.u32 @!p1 s19, $0x3  }
0x2d: {  	s20 =	sadd.s32 @!p1 s3, s20;
	s21 =	sand.u32 @!p1 $0x7, s10;
	s19 =	sand.u32 @!p1 $0x7FF00, s19  }
0x2e: {  	s18 =	sshrl.u32 @!p1 s18, $0x3;
	s19 =	sadd.s32 @!p1 s19, s20;
	s20 =	sshll.u32 @!p1 s21, $0x12  }
0x2f: {  	s18 =	sadd.s32 @!p1 s18, s19;
	s19 =	sor.u32 @!p1 $0x400, s20;
	s20 =	simm.s32 @!p1 $0x4000  }
0x30: {  	[tilespmem:s17], [sflag:$0x1] =	stream.strided.gather @!p1 [hbm4b:s18+s19], $0x4000, s20, s19, $0x38;
	[tilespmem:$0x10100] =	vst v63  }
0x31: {  	p1 =	sge.u32 s31, s7  }
.Ltmp2:
0x32: {  	_ = 	snop;
	(pc) =	sbr.rel @p1 .LBB1_5-.Ltmp2, $1  }
0x33: {  	_ =	sdelay $0x3  }
0x34: {  	s17 =	simm.s32 $0x1  }
0x35: {  	_ =	swait.ge [sflag:s6], $0x4000;
	s17 =	simm.s32 @!p0 $0x0  }
0x36: {  	[sflag:s6] =	ssyncset.done $0x0;
	s18 =	sshll.u32 s17, $0xE  }
0x37: {  	[sflag:s6] =	ssyncadd.s32 $0xFFFFC000;
	s19 =	sor.u32 $0x40, s18  }
0x38: {  	s17 =	smul.u32 $0x10200, s17;
	v0 =	vld [tilespmem:s19+$0x30]  }
0x39: {  	v3 =	vld [tilespmem:s19+$0xFFFFFFD0]  }
0x3a: {  	s17 =	sshrl.u32 s17, $0x2;
	v4 =	vld [tilespmem:s19+$0xFFFFFFE0]  }
0x3b: {  	v5 =	vld [tilespmem:s19+$0xFFFFFFF0];
	s18 =	sor.u32 $0x8000, s17  }
0x3c: {  	s31 =	sand.u32 $0x1, s13;
	v1 =	vld [tilespmem:s19+$0x0];
	s20 =	sadd.s32 $0x0, s18  }
0x3d: {  	v2 =	vld [tilespmem:s19+$0x10];
	s17 =	smul.u32 $0x10200, s31;
	[tilespmem:s20+$0x3870 ss:$0x81] =	vst.msk $0xffff, v0  }
0x3e: {  	[tilespmem:s20+$0x810 ss:$0x81] =	vst.msk $0xffff, v3;
	v3 =	vld [tilespmem:s19+$0x20]  }
0x3f: {  	s17 =	sshrl.u32 s17, $0x2;
	v0 =	vld [tilespmem:s19+$0xFFFFFFC0];
	[tilespmem:s20+$0x1020 ss:$0x81] =	vst.msk $0xffff, v4;
	s19 =	sadd.s32 $0x80, s19  }
0x40: {  	s21 =	simm.s32 $0x4;
	s22 =	simm.s32 $0x8;
	s17 =	sor.u32 $0x8000, s17;
	[tilespmem:s20+$0x1830 ss:$0x81] =	vst.msk $0xffff, v5;
	v4 =	vld [tilespmem:s19+$0x30]  }
.LBB1_3:
0x41: {  	p1 =	sne.s32 s22, $0x1FC;
	v5 =	vld [tilespmem:s19+$0xFFFFFFD0];
	[tilespmem:s20+$0x2040 ss:$0x81] =	vst.msk $0xffff, v1  }
0x42: {  	v6 =	vld [tilespmem:s19+$0xFFFFFFE0];
	[tilespmem:s20+$0x2850 ss:$0x81] =	vst.msk $0xffff, v2  }
0x43: {  	s23 =	sshra.s32 s21, $0x2;
	s21 =	smov.u32 s22;
	v7 =	vld [tilespmem:s19+$0xFFFFFFF0];
	[tilespmem:s20+$0x3060 ss:$0x81] =	vst.msk $0xffff, v3  }
.Ltmp3:
0x44: {  	v1 =	vld [tilespmem:s19+$0x0];
	[tilespmem:s20+$0x0 ss:$0x81] =	vst.msk $0xffff, v0;
	s20 =	sadd.s32 s23, s18;
	(pc) =	sbr.rel @p1 .LBB1_3-.Ltmp3, $4  }
0x45: {  	v2 =	vld [tilespmem:s19+$0x10];
	[tilespmem:s20+$0x3870 ss:$0x81] =	vst.msk $0xffff, v4  }
0x46: {  	[tilespmem:s20+$0x810 ss:$0x81] =	vst.msk $0xffff, v5;
	v3 =	vld [tilespmem:s19+$0x20]  }
0x47: {  	v0 =	vld [tilespmem:s19+$0xFFFFFFC0];
	[tilespmem:s20+$0x1020 ss:$0x81] =	vst.msk $0xffff, v6;
	s19 =	sadd.s32 $0x80, s19  }
0x48: {  	s22 =	sadd.s32 $0x4, s22;
	v4 =	vld [tilespmem:s19+$0x30];
	[tilespmem:s20+$0x1830 ss:$0x81] =	vst.msk $0xffff, v7  }
.Ltmp4:
0x49: {  	_ = 	snop;
	(pc) =	sbr.rel .LBB1_4-.Ltmp4, $1  }
0x4a: {  	_ =	sdelay $0x3  }
.LBB1_6:
0x4b: {  	_ =	sfence.sel $0x180000  }
0x4c: {  	s2 =	simm.s32 $0x1;
	[bflag:$0x0] =	sbarrier.arrive $0xFFFF  }
0x4d: {  	s31 =	simm.s32 $0x2;
	[sflag:s2] =	ssyncpa.u1 $0x1  }
0x4e: {  	[sflag:s31] =	ssyncpa.u1 $0x1  }
0x4f: {  	p0 =	sne.s32 s0, $0x0;
	_ =	strace $0x90000047  }
0x50: {  	s0 =	sadd.s32 @!p0 $0x100000, s1;
	[bflag:$0x2] =	sbarrier.arrive $0xFFFF  }
0x51: {  	[sflag:s0] =	ssyncadd.tile.s32 @!p0 $0x1;
	_ =	shalt  }
.Lfunc_end1:
_tile_overlayer_lowered:
.L_overlay_start_2:
0x52: {  	(tag) =	ssettag $0x2  }
0x53: {  	s0 =	rddreg [dreg:$0x0];
	s2 =	stileid.u32  }
0x54: {  	s1 =	rddreg [dreg:$0x1];
	p0 =	sne.s32 s2, $0x0  }
0x55: {  	s3 =	rddreg [dreg:$0x2];
	[bflag:$0x3] =	sbarrier.arrive $0xFFFF;
	s2 =	simm.s32 @!p0 $0x1C01  }
0x56: {  	[timem:s3], [sflag:s2] =	dma.local @!p0 [hbm:s0], s1  }
0x57: {  	s0 =	simm.s32 @!p0 $0x1  }
0x58: {  	_ =	swait.ge @!p0 [sflag:s0], s1  }
0x59: {  	s1 =	ssub.s32 @!p0 $0x0, s1;
	[sflag:s0] =	ssyncset.done @!p0 $0x0  }
0x5a: {  	[sflag:s0] =	ssyncadd.s32 @!p0 s1  }
0x5b: {  	[bflag:$0x3] =	sbarrier.arrive $0xFFFF  }
0x5c: {  	_ =	shalt  }

// kernel: sparse-core-data-format-call.cloned.1.call-start
scs
called_computation_lowered:
.L_overlay_start_0:
0x0: {  	s1 =	sld [smem:$0x3FD9]  }
0x1: {  	s2 =	sld [smem:$0x3FFE];
	_ =	sdelay $0x1  }
0x2: {  	s3 =	srdreg.scid  }
0x3: {  	s0 =	sand.u32 $0x1, s3  }
0x4: {  	s17 =	sshll.u32 s0, $0xA;
	s1 =	sadd.s32 s2, s1  }
0x5: {  	s1 =	sadd.s32 s1, s17  }
0x6: {  	[smem:$0x3FB1] =	sst s1  }
0x7: {  	_ = 	snop  }
0x8: {  	(tm) =	ssettm $0x1  }
0x9: {  	s18 =	sld [smem:$0x3FFB];
	_ =	sdelay $0x3  }
0xa: {  	_ =	strace s18  }
0xb: {  	s1 =	sld [smem:$0x3FFC];
	_ =	sdelay $0x3  }
0xc: {  	_ =	strace s1  }
0xd: {  	s1 =	sld [smem:$0x3FFD];
	_ =	sdelay $0x3  }
0xe: {  	_ =	strace s1  }
0xf: {  	_ =	strace $0x8FFFFFFF  }
0x10: {  	s19 =	sld [smem:$0x3FDB];
	_ =	sdelay $0x1  }
0x11: {  	s20 =	simm.s32 $_scs_section_size  }
0x12: {  	s4 =	simm.s32 $_size__tile_overlayer_lowered;
	s5 =	simm.s32 $_tile_overlayer_lowered  }
0x13: {  	s23 =	simm.s32 $0x1BFF;
	s22 =	sshll.u32 s5, $0x1;
	s1 =	sadd.s32 s20, s19  }
0x14: {  	s6 =	simm.s32 $0x0;
	s21 =	sshll.u32 s4, $0x1;
	s4 =	sadd.s32 s22, s1  }
0x15: {  	[timem:s6], [sflag:s23] =	dma.local [hbm:s4], s21  }
0x16: {  	_ =	swait.ge [sflag:s23], s21  }
0x17: {  	s2 =	ssub.s32 $0x0, s21;
	[sflag:s23] =	ssyncset.done $0x0  }
0x18: {  	[sflag:s23] =	ssyncadd.s32 s2;
	_ =	sdelay $0x1  }
0x19: {  	s24 =	simm.s32 $0x1B8B  }
0x1a: {  	_ =	swait.ge [sflag:s24], $0x1  }
0x1b: {  	[sflag:s24] =	ssyncset.done $0x0  }
0x1c: {  	s26 =	simm.s32 $0x1B8E;
	s25 =	sld [smem:$0x3FFE];
	[sflag:s24] =	ssyncadd.s32 $0xFFFFFFFF  }
0x1d: {  	s27 =	simm.s32 $execute0_lowered;
	[smem:$0x3FD2] =	sst s26  }
0x1e: {  	s4 =	sshll.u32 s27, $0x1;
	_ =	strace $0x80000058;
	[dreg:$0x1] =	wrdreg $0xFFFFFFFF  }
0x1f: {  	s28 =	simm.s32 $_size_execute0_lowered;
	s1 =	sadd.s32 s1, s4;
	[dreg:$0x0] =	wrdreg $0x0  }
0x20: {  	s4 =	sshll.u32 s28, $0x1;
	[dreg:$0x2] =	wrdreg s1  }
0x21: {  	[dreg:$0x3] =	wrdreg s4  }
0x22: {  	[dreg:$0x4] =	wrdreg $0xC0  }
0x23: {  	_ =	task [dreg:s6], $0x5FFFF  }
0x24: {  	[dreg:$0x1] =	wrdreg $0xFFFFFFFF  }
0x25: {  	[dreg:$0x0] =	wrdreg $0x60  }
0x26: {  	[dreg:$0x2] =	wrdreg s25  }
0x27: {  	[dreg:$0x3] =	wrdreg $0x9  }
0x28: {  	_ =	task.clear_ibuf [dreg:s6], $0x4FFFF;
	_ =	strace $0x90000058  }
0x29: {  	s29 =	simm.s32 $0x9;
	_ =	strace $0x8000005A  }
0x2a: {  	_ =	swait.ge [sflag:s29], $0x1  }
0x2b: {  	[sflag:s29] =	ssyncadd.s32 $0xFFFFFFFF  }
0x2c: {  	_ =	strace $0x9000005A  }
0x2d: {  	_ =	sfence  }
0x2e: {  	s30 =	sld [smem:$0x0];
	_ =	sdelay $0x2  }
0x2f: {  	s31 =	sshll.u32 s3, $0xD;
	s3 =	sshrl.u32 s3, $0x2  }
0x30: {  	s2 =	sand.u32 $0x4000, s31;
	s1 =	sadd.s32 s3, s30  }
0x31: {  	s0 =	sor.u32 s2, s0;
	s1 =	sshll.u32 s1, $0x11  }
0x32: {  	s0 =	sor.u32 s1, s0  }
0x33: {  	s0 =	sadd.s32 $0x8F2B, s0  }
0x34: {  	[sflag:s0] =	ssyncadd.remote.s32 $0x1  }
0x35: {  	_ =	sfence.sel $0xFFFF  }
0x36: {  	[dreg:$0x0] =	wrdreg $0xFFFFFFFF;
	(pc) =	sbr.abs _section_cstart, $3  }
0x37: {  	[dreg:$0x1] =	wrdreg $0xFFFFFFFF  }
0x38: {  	_ =	task.clear_ibuf [dreg:s6], $0x2FFFF;
	_ =	strace $0x9FFFFFFF  }
0x39: {  	(tm) =	ssettm $0x7FFFFFFF  }
tec
execute0_lowered:
.L_overlay_start_1:
0x0: {  	(tag) =	ssettag $0x1  }
0x1: {  	s0 =	stileid.u32;
	s1 =	srdreg.scid  }
0x2: {  	s4 =	rddreg [dreg:$0x0];
	s7 =	simm.s32 $0x1;
	s31 =	simm.s32 $0x2  }
0x3: {  	s16 =	simm.s32 $0x0;
	s2 =	sshll.u32 s0, $0x5;
	s1 =	sshll.u32 s1, $0x9  }
0x4: {  	s9 =	simm.s32 $0x4000;
	s14 =	simm.s32 $0x0;
	s1 =	sor.u32 s2, s1  }
0x5: {  	s15 =	simm.s32 $0x0;
	s10 =	simm.s32 $0x0;
	s2 =	sand.u32 $0x380, s1  }
0x6: {  	s13 =	simm.s32 $0x0;
	s3 =	sadd.s32 $0x220400, s4;
	s5 =	ssub.s32 $0x800, s2  }
0x7: {  	s4 =	sadd.s32 $0x420400, s4;
	s1 =	rddreg [dreg:$0x1];
	s6 =	sand.u32 $0x380, s5  }
.Ltmp0:
0x8: {  	_ =	strace $0x80000059;
	p0 =	sne.s32 s6, $0x0;
	(pc) =	sbr.rel .LBB1_1-.Ltmp0, $4  }
0x9: {  	s11 =	smov.u32 s2;
	s8 =	sshrl.u32 s5, $0xA;
	s7 =	simm.s32 @!p0 $0x0  }
0xa: {  	s5 =	sand.u32 $0x3, s0;
	s6 =	simm.s32 $0x1;
	s7 =	sadd.s32 s7, s8  }
0xb: {  	s12 =	smov.u32 s5;
	[sflag:s6] =	ssyncpa.u1 $0x0;
	s7 =	sshll.u32 s7, $0x4  }
0xc: {  	p0 =	por $0x0, $0x0;
	[sflag:s31] =	ssyncpa.u1 $0x0;
	s8 =	sor.u32 $0x1, s7  }
.LBB1_4:
0xd: {  	v5 =	vld [tilespmem:s19+$0xFFFFFFD0]  }
0xe: {  	[tilespmem:s20+$0x2040 ss:$0x81] =	vst.msk $0xffff, v1;
	v58 =	vld [tilespmem:s19+$0xFFFFFFE0]  }
0xf: {  	[tilespmem:s20+$0x2850 ss:$0x81] =	vst.msk $0xffff, v2;
	v59 =	vld [tilespmem:s19+$0xFFFFFFF0]  }
0x10: {  	s21 =	sshra.s32 s21, $0x2;
	[tilespmem:s20+$0x3060 ss:$0x81] =	vst.msk $0xffff, v3;
	v60 =	vld [tilespmem:s19+$0x0]  }
0x11: {  	[tilespmem:s20+$0x0 ss:$0x81] =	vst.msk $0xffff, v0;
	v61 =	vld [tilespmem:s19+$0x10];
	s18 =	sadd.s32 s21, s18  }
0x12: {  	s26 =	sshll.u32 s16, $0xB;
	v62 =	vld [tilespmem:s19+$0x20];
	[tilespmem:s18+$0x3870 ss:$0x81] =	vst.msk $0xffff, v4  }
0x13: {  	s27 =	sand.u32 $0x78, s14;
	s22 =	sshll.u32 s14, $0x3;
	v63 =	vld [tilespmem:s19+$0xFFFFFFC0];
	s29 =	sshll.u32 s16, $0x7;
	[tilespmem:s18+$0x810 ss:$0x81] =	vst.msk $0xffff, v5  }
0x14: {  	s15 =	sshll.u32 s15, $0x13;
	s20 =	sand.u32 $0x3FC000, s26;
	s28 =	sand.u32 $0x3FFC00, s22;
	[tilespmem:s18+$0x1020 ss:$0x81] =	vst.msk $0xffff, v58  }
0x15: {  	s31 =	sand.u32 $0x7, s14;
	s22 =	sand.u32 $0x400, s22;
	s19 =	sadd.s32 s28, s20;
	[tilespmem:s18+$0x1830 ss:$0x81] =	vst.msk $0xffff, v59  }
0x16: {  	s16 =	sand.u32 $0x380, s29;
	s30 =	sor.u32 s27, s22;
	s19 =	sshrl.u32 s19, $0x3;
	[tilespmem:s18+$0x2040 ss:$0x81] =	vst.msk $0xffff, v60  }
0x17: {  	s15 =	sadd.s32 s4, s15;
	s16 =	sor.u32 s16, s30;
	s19 =	sand.u32 $0x7FF00, s19;
	[tilespmem:s18+$0x2850 ss:$0x81] =	vst.msk $0xffff, v61  }
0x18: {  	s14 =	sshll.u32 s31, $0x12;
	s16 =	sshrl.u32 s16, $0x3;
	[tilespmem:s18+$0x3060 ss:$0x81] =	vst.msk $0xffff, v62;
	s15 =	sadd.s32 s19, s15  }
0x19: {  	s14 =	sor.u32 $0x400, s14;
	[tilespmem:s18+$0x0 ss:$0x81] =	vst.msk $0xffff, v63;
	s15 =	sadd.s32 s16, s15  }
0x1a: {  	[hbm4b:s15+s14] =	stream.strided.scatter [tilespmem:s17], [sflag:$0x2], $0x4000, s9, s14, $0x20;
	[tilespmem:$0x10100] =	vst v63  }
.LBB1_5:
0x1b: {  	s17 =	sadd.s32 $0x80, s10  }
0x1c: {  	s14 =	sadd.s32 $0x400, s11;
	s18 =	smov.u32 s11;
	p2 =	sgt.s32 s17, $0x7FF  }
0x1d: {  	s18 =	smov.u32 @p2 s14  }
0x1e: {  	s20 =	smov.u32 s12;
	s14 =	sadd.s32 $0x4, s12;
	p3 =	sgt.s32 s18, $0x7FF  }
0x1f: {  	s20 =	smov.u32 @p3 s14  }
0x20: {  	s17 =	simm.s32 @p2 $0x0;
	p2 =	sgt.s32 s20, $0x3  }
0x21: {  	p1 =	slt.u32 s13, $0x2;
	s20 =	smov.u32 @p2 s5;
	p2 =	sne.s32 s13, s8  }
.Ltmp1:
0x22: {  	s19 =	simm.s32 @!p1 $0x2;
	(pc) =	sbr.rel @!p2 .LBB1_6-.Ltmp1, $4  }
0x23: {  	s16 =	smov.u32 s10;
	s15 =	smov.u32 s12;
	_ =	swait.ge @!p1 [sflag:s19], $0x4000  }
0x24: {  	p0 =	por !p0, !p0;
	[sflag:s19] =	ssyncset.done @!p1 $0x0;
	s10 =	smov.u32 s17  }
0x25: {  	s18 =	smov.u32 @p3 s2;
	s14 =	smov.u32 s11;
	[sflag:s19] =	ssyncadd.s32 @!p1 $0xFFFFC000  }
0x26: {  	s11 =	smov.u32 s18;
	s13 =	sadd.s32 $0x1, s13;
	s12 =	smov.u32 s20  }
.LBB1_1:
0x27: {  	p1 =	sge.u32 s13, s7;
	s31 =	sadd.s32 $0xFFFFFFFF, s13  }
0x28: {  	s17 =	sxor.u32 @!p1 $0xFFFFFFFF, s13;
	s18 =	sand.u32 @!p1 $0x78, s10;
	s19 =	sshll.u32 @!p1 s11, $0xB  }
0x29: {  	s20 =	sshll.u32 @!p1 s11, $0x7;
	s21 =	sshll.u32 @!p1 s10, $0x3;
	s17 =	sshll.u32 @!p1 s17, $0xE  }
0x2a: {  	s19 =	sand.u32 @!p1 $0x3FC000, s19;
	s20 =	sand.u32 @!p1 $0x380, s20;
	s17 =	sand.u32 @!p1 $0x4000, s17  }
0x2b: {  	s19 =	sadd.s32 @!p1 s19, s21;
	s21 =	sand.u32 @!p1 $0x400, s21;
	s18 =	sor.u32 @!p1 s20, s18  }
0x2c: {  	s20 =	sshll.u32 @!p1 s12, $0x13;
	s18 =	sor.u32 @!p1 s21, s18;
	s19 =	sshrl.u32 @!p1 s19, $0x3  }
0x2d: {  	s20 =	sadd.s32 @!p1 s3, s20;
	s21 =	sand.u32 @!p1 $0x7, s10;
	s19 =	sand.u32 @!p1 $0x7FF00, s19  }
0x2e: {  	s18 =	sshrl.u32 @!p1 s18, $0x3;
	s19 =	sadd.s32 @!p1 s19, s20;
	s20 =	sshll.u32 @!p1 s21, $0x12  }
0x2f: {  	s18 =	sadd.s32 @!p1 s18, s19;
	s19 =	sor.u32 @!p1 $0x400, s20;
	s20 =	simm.s32 @!p1 $0x4000  }
0x30: {  	[tilespmem:s17], [sflag:$0x1] =	stream.strided.gather @!p1 [hbm4b:s18+s19], $0x4000, s20, s19, $0x38;
	[tilespmem:$0x10100] =	vst v63  }
0x31: {  	p1 =	sge.u32 s31, s7  }
.Ltmp2:
0x32: {  	_ = 	snop;
	(pc) =	sbr.rel @p1 .LBB1_5-.Ltmp2, $1  }
0x33: {  	_ =	sdelay $0x3  }
0x34: {  	s17 =	simm.s32 $0x1  }
0x35: {  	_ =	swait.ge [sflag:s6], $0x4000;
	s17 =	simm.s32 @!p0 $0x0  }
0x36: {  	[sflag:s6] =	ssyncset.done $0x0;
	s18 =	sshll.u32 s17, $0xE  }
0x37: {  	[sflag:s6] =	ssyncadd.s32 $0xFFFFC000;
	s19 =	sor.u32 $0x40, s18  }
0x38: {  	s17 =	smul.u32 $0x10200, s17;
	v0 =	vld [tilespmem:s19+$0x30]  }
0x39: {  	v3 =	vld [tilespmem:s19+$0xFFFFFFD0]  }
0x3a: {  	s17 =	sshrl.u32 s17, $0x2;
	v4 =	vld [tilespmem:s19+$0xFFFFFFE0]  }
0x3b: {  	v5 =	vld [tilespmem:s19+$0xFFFFFFF0];
	s18 =	sor.u32 $0x8000, s17  }
0x3c: {  	s31 =	sand.u32 $0x1, s13;
	v1 =	vld [tilespmem:s19+$0x0];
	s20 =	sadd.s32 $0x0, s18  }
0x3d: {  	v2 =	vld [tilespmem:s19+$0x10];
	s17 =	smul.u32 $0x10200, s31;
	[tilespmem:s20+$0x3870 ss:$0x81] =	vst.msk $0xffff, v0  }
0x3e: {  	[tilespmem:s20+$0x810 ss:$0x81] =	vst.msk $0xffff, v3;
	v3 =	vld [tilespmem:s19+$0x20]  }
0x3f: {  	s17 =	sshrl.u32 s17, $0x2;
	v0 =	vld [tilespmem:s19+$0xFFFFFFC0];
	[tilespmem:s20+$0x1020 ss:$0x81] =	vst.msk $0xffff, v4;
	s19 =	sadd.s32 $0x80, s19  }
0x40: {  	s21 =	simm.s32 $0x4;
	s22 =	simm.s32 $0x8;
	s17 =	sor.u32 $0x8000, s17;
	[tilespmem:s20+$0x1830 ss:$0x81] =	vst.msk $0xffff, v5;
	v4 =	vld [tilespmem:s19+$0x30]  }
.LBB1_3:
0x41: {  	p1 =	sne.s32 s22, $0x1FC;
	v5 =	vld [tilespmem:s19+$0xFFFFFFD0];
	[tilespmem:s20+$0x2040 ss:$0x81] =	vst.msk $0xffff, v1  }
0x42: {  	v6 =	vld [tilespmem:s19+$0xFFFFFFE0];
	[tilespmem:s20+$0x2850 ss:$0x81] =	vst.msk $0xffff, v2  }
0x43: {  	s23 =	sshra.s32 s21, $0x2;
	s21 =	smov.u32 s22;
	v7 =	vld [tilespmem:s19+$0xFFFFFFF0];
	[tilespmem:s20+$0x3060 ss:$0x81] =	vst.msk $0xffff, v3  }
.Ltmp3:
0x44: {  	v1 =	vld [tilespmem:s19+$0x0];
	[tilespmem:s20+$0x0 ss:$0x81] =	vst.msk $0xffff, v0;
	s20 =	sadd.s32 s23, s18;
	(pc) =	sbr.rel @p1 .LBB1_3-.Ltmp3, $4  }
0x45: {  	v2 =	vld [tilespmem:s19+$0x10];
	[tilespmem:s20+$0x3870 ss:$0x81] =	vst.msk $0xffff, v4  }
0x46: {  	[tilespmem:s20+$0x810 ss:$0x81] =	vst.msk $0xffff, v5;
	v3 =	vld [tilespmem:s19+$0x20]  }
0x47: {  	v0 =	vld [tilespmem:s19+$0xFFFFFFC0];
	[tilespmem:s20+$0x1020 ss:$0x81] =	vst.msk $0xffff, v6;
	s19 =	sadd.s32 $0x80, s19  }
0x48: {  	s22 =	sadd.s32 $0x4, s22;
	v4 =	vld [tilespmem:s19+$0x30];
	[tilespmem:s20+$0x1830 ss:$0x81] =	vst.msk $0xffff, v7  }
.Ltmp4:
0x49: {  	_ = 	snop;
	(pc) =	sbr.rel .LBB1_4-.Ltmp4, $1  }
0x4a: {  	_ =	sdelay $0x3  }
.LBB1_6:
0x4b: {  	_ =	sfence.sel $0x180000  }
0x4c: {  	s2 =	simm.s32 $0x1;
	[bflag:$0x0] =	sbarrier.arrive $0xFFFF  }
0x4d: {  	s31 =	simm.s32 $0x2;
	[sflag:s2] =	ssyncpa.u1 $0x1  }
0x4e: {  	[sflag:s31] =	ssyncpa.u1 $0x1  }
0x4f: {  	p0 =	sne.s32 s0, $0x0;
	_ =	strace $0x90000059  }
0x50: {  	s0 =	sadd.s32 @!p0 $0x100000, s1;
	[bflag:$0x2] =	sbarrier.arrive $0xFFFF  }
0x51: {  	[sflag:s0] =	ssyncadd.tile.s32 @!p0 $0x1;
	_ =	shalt  }
.Lfunc_end1:
_tile_overlayer_lowered:
.L_overlay_start_2:
0x52: {  	(tag) =	ssettag $0x2  }
0x53: {  	s0 =	rddreg [dreg:$0x0];
	s2 =	stileid.u32  }
0x54: {  	s1 =	rddreg [dreg:$0x1];
	p0 =	sne.s32 s2, $0x0  }
0x55: {  	s3 =	rddreg [dreg:$0x2];
	[bflag:$0x3] =	sbarrier.arrive $0xFFFF;
	s2 =	simm.s32 @!p0 $0x1C01  }
0x56: {  	[timem:s3], [sflag:s2] =	dma.local @!p0 [hbm:s0], s1  }
0x57: {  	s0 =	simm.s32 @!p0 $0x1  }
0x58: {  	_ =	swait.ge @!p0 [sflag:s0], s1  }
0x59: {  	s1 =	ssub.s32 @!p0 $0x0, s1;
	[sflag:s0] =	ssyncset.done @!p0 $0x0  }
0x5a: {  	[sflag:s0] =	ssyncadd.s32 @!p0 s1  }
0x5b: {  	[bflag:$0x3] =	sbarrier.arrive $0xFFFF  }
0x5c: {  	_ =	shalt  }

</sc_bundles>
